<compile_context>
chip_gen: v7x
topology: tpu7x:2x2x1
jax: 0.10.2.dev20260603
libtpu: 0.0.44.dev20260713+nightly
codegen_flags: <defaults>
</compile_context>

<pallas_src>
import jax
import jax.numpy as jnp
from jax import lax
from jax.experimental import pallas as pl
from jax.experimental.pallas import tpu as pltpu
from jax.experimental.pallas import tpu_sc as plsc

N_NODES = 10000
N_EDGES = 320000
D_FEAT = 128
OUT_DIM = 64

NC = 2
NS = 16
NW = NC * NS
L = 16

DAUG = 144
DPAD = DAUG - D_FEAT
N_PAD = 10240
CHUNK = 80
NCHUNK = 128
NBATCH = NCHUNK // 2
EPW = CHUNK * NCHUNK
E_PAD = NW * EPW
RPT = N_PAD // NS


def _sc_segment_kernel(xaug_hbm, idx_hbm, wrows_hbm,
                       msg_out, deg_out, wsum_out,
                       idx_v, rows0_v, rows1_v, wbuf_v,
                       acc_s, accw_s, semg0, semg1, sems0, sems1):
    c = lax.axis_index("c")
    s = lax.axis_index("s")
    wid = c * NS + s

    zeros16 = jnp.zeros((L,), jnp.float32)

    def _zero_bufs(i, _):
        for k in range(D_FEAT // L):
            rows0_v[i, pl.ds(k * L, L)] = zeros16
        rows0_v[i, pl.ds(DAUG - L, L)] = zeros16
        wbuf_v[i, pl.ds(0, L)] = zeros16
        wbuf_v[i + CHUNK, pl.ds(0, L)] = zeros16
        return 0

    lax.fori_loop(0, CHUNK, _zero_bufs, 0)

    r0 = s * RPT
    for k in range(RPT // CHUNK):
        pltpu.sync_copy(rows0_v, acc_s.at[pl.ds(r0 + k * CHUNK, CHUNK)])
    for k in range(RPT // (2 * CHUNK)):
        pltpu.sync_copy(wbuf_v,
                        accw_s.at[pl.ds(r0 + k * 2 * CHUNK, 2 * CHUNK)])
    plsc.subcore_barrier()

    def _body(i, _):
        pltpu.sync_copy(idx_hbm.at[wid, i], idx_v)
        g0 = pltpu.async_copy(xaug_hbm.at[idx_v.at[0, 0]], rows0_v, semg0)
        g1 = pltpu.async_copy(xaug_hbm.at[idx_v.at[1, 0]], rows1_v, semg1)
        pltpu.sync_copy(wrows_hbm.at[wid, i], wbuf_v)
        g0.wait()
        s0 = pltpu.async_copy(rows0_v, acc_s.at[idx_v.at[0, 1]], sems0,
                              add=True)
        g1.wait()
        s1 = pltpu.async_copy(rows1_v, acc_s.at[idx_v.at[1, 1]], sems1,
                              add=True)
        pltpu.sync_copy(wbuf_v.at[pl.ds(0, CHUNK)],
                        accw_s.at[idx_v.at[0, 0]], add=True)
        pltpu.sync_copy(wbuf_v.at[pl.ds(CHUNK, CHUNK)],
                        accw_s.at[idx_v.at[1, 0]], add=True)
        s0.wait()
        s1.wait()
        return 0

    lax.fori_loop(0, NBATCH, _body, 0)
    plsc.subcore_barrier()

    row0 = c * N_PAD + r0
    pltpu.sync_copy(acc_s.at[pl.ds(r0, RPT), pl.ds(0, D_FEAT)],
                    msg_out.at[pl.ds(row0, RPT)])
    pltpu.sync_copy(acc_s.at[pl.ds(r0, RPT), pl.ds(D_FEAT, DPAD)],
                    deg_out.at[pl.ds(row0, RPT)])
    pltpu.sync_copy(accw_s.at[pl.ds(r0, RPT)],
                    wsum_out.at[pl.ds(row0, RPT)])


def _sc_aggregate(x_aug, idx_r, w_rows):
    mesh = plsc.VectorSubcoreMesh(core_axis_name="c", subcore_axis_name="s")
    f32 = jnp.float32
    return pl.kernel(
        _sc_segment_kernel,
        out_type=(
            jax.ShapeDtypeStruct((NC * N_PAD, D_FEAT), f32),
            jax.ShapeDtypeStruct((NC * N_PAD, DPAD), f32),
            jax.ShapeDtypeStruct((NC * N_PAD, L), f32),
        ),
        mesh=mesh,
        compiler_params=pltpu.CompilerParams(use_tc_tiling_on_sc=False),
        scratch_types=[
            pltpu.VMEM((2, 2, CHUNK), jnp.int32),
            pltpu.VMEM((CHUNK, DAUG), f32),
            pltpu.VMEM((CHUNK, DAUG), f32),
            pltpu.VMEM((2 * CHUNK, L), f32),
            pltpu.VMEM_SHARED((N_PAD, DAUG), f32),
            pltpu.VMEM_SHARED((N_PAD, L), f32),
            pltpu.SemaphoreType.DMA,
            pltpu.SemaphoreType.DMA,
            pltpu.SemaphoreType.DMA,
            pltpu.SemaphoreType.DMA,
        ],
    )(x_aug, idx_r, w_rows)


TC_BLK = 1000
TC_GRID = N_NODES // TC_BLK


def _tc_finish_kernel(x_ref, msg_ref, deg_ref, wsum_ref,
                      w1t_ref, w2t_ref, bias_ref,
                      h_ref, reg_ref, vec_acc, s1_acc):
    i = pl.program_id(0)

    @pl.when(i == 0)
    def _init():
        vec_acc[...] = jnp.zeros_like(vec_acc)
        s1_acc[0] = 0.0

    x = x_ref[...]
    msg = msg_ref[0] + msg_ref[1]
    deg = (deg_ref[0] + deg_ref[1])[:, 0]
    y = msg / jnp.maximum(deg, 1.0)[:, None]
    h = (jnp.dot(x, w1t_ref[...], preferred_element_type=jnp.float32)
         + jnp.dot(y, w2t_ref[...], preferred_element_type=jnp.float32)
         + bias_ref[...])
    h_ref[...] = h

    a = (wsum_ref[0] + wsum_ref[1])[:, 0] * (1.0 / N_NODES)
    vec_acc[0, :] += jnp.sum(y, axis=0)
    vec_acc[1, :] += jnp.sum(a[:, None] * x, axis=0)
    s1_acc[0] += jnp.sum((a * a) * jnp.sum(x * x, axis=1))

    @pl.when(i == TC_GRID - 1)
    def _fin():
        m = vec_acc[0, :] * (1.0 / N_NODES)
        v = vec_acc[1, :]
        reg = (s1_acc[0] - 2.0 * jnp.sum(v * m)
               + N_NODES * jnp.sum(m * m)) / (N_NODES * OUT_DIM)
        reg_ref[...] = jnp.reshape(reg, (1, 1))


def _tc_finish(x, msg2, deg2, wsum2, w1t, w2t, bias2d):
    f32 = jnp.float32
    return pl.pallas_call(
        _tc_finish_kernel,
        grid=(TC_GRID,),
        in_specs=[
            pl.BlockSpec((TC_BLK, D_FEAT), lambda i: (i, 0)),
            pl.BlockSpec((NC, TC_BLK, D_FEAT), lambda i: (0, i, 0)),
            pl.BlockSpec((NC, TC_BLK, DPAD), lambda i: (0, i, 0)),
            pl.BlockSpec((NC, TC_BLK, L), lambda i: (0, i, 0)),
            pl.BlockSpec((D_FEAT, OUT_DIM), lambda i: (0, 0)),
            pl.BlockSpec((D_FEAT, OUT_DIM), lambda i: (0, 0)),
            pl.BlockSpec((1, OUT_DIM), lambda i: (0, 0)),
        ],
        out_specs=[
            pl.BlockSpec((TC_BLK, OUT_DIM), lambda i: (i, 0)),
            pl.BlockSpec((1, 1), lambda i: (0, 0)),
        ],
        out_shape=[
            jax.ShapeDtypeStruct((N_NODES, OUT_DIM), f32),
            jax.ShapeDtypeStruct((1, 1), f32),
        ],
        scratch_shapes=[
            pltpu.VMEM((2, D_FEAT), f32),
            pltpu.SMEM((1,), f32),
        ],
    )(x, msg2, deg2, wsum2, w1t, w2t, bias2d)


def kernel(edge_index, x, w, W_weight, W_bias):
    src = edge_index[0]
    dst = edge_index[1]

    pad = E_PAD - N_EDGES
    src_p = jnp.concatenate([src, jnp.full((pad,), N_NODES, jnp.int32)])
    dst_p = jnp.concatenate([dst, jnp.full((pad,), N_NODES, jnp.int32)])
    w_p = jnp.concatenate([w, jnp.zeros((pad,), jnp.float32)])
    idx_r = jnp.stack([src_p.reshape(NW, NBATCH, 2, CHUNK),
                       dst_p.reshape(NW, NBATCH, 2, CHUNK)], axis=3)
    w_rows = jnp.pad(w_p[:, None], ((0, 0), (0, L - 1))).reshape(
        NW, NBATCH, 2 * CHUNK, L)

    x_aug = jnp.zeros((N_PAD, DAUG), jnp.float32)
    x_aug = x_aug.at[:N_NODES, :D_FEAT].set(x)
    x_aug = x_aug.at[:N_NODES, D_FEAT].set(1.0)

    msg2, deg2, wsum2 = _sc_aggregate(x_aug, idx_r, w_rows)
    msg2 = msg2.reshape(NC, N_PAD, D_FEAT)
    deg2 = deg2.reshape(NC, N_PAD, DPAD)
    wsum2 = wsum2.reshape(NC, N_PAD, L)

    w1t = W_weight[:, :D_FEAT].T
    w2t = W_weight[:, D_FEAT:].T
    bias2d = W_bias[None, :]

    h, reg = _tc_finish(x, msg2, deg2, wsum2, w1t, w2t, bias2d)
    return (h, reg[0, 0])

# --- scband reference (transcript-rebuilt; emitter-appended) ---
"""Pipeline reference for scband-sageconv-reg-6536940224566 (READ-ONLY COPY).

The authoritative reference and input builder live on the scoring server;
editing this copy changes nothing except your own understanding.
"""

import jax, jax.numpy as jnp
import numpy as np

N_NODES = 10000
N_EDGES = 320000
D_FEAT = 128
OUT_DIM = 64


def setup_inputs(seed: int = 0) -> dict:
    key = jax.random.key(seed)
    k1, k2, k3, k4 = jax.random.split(key, 4)
    x = jax.random.normal(k1, (N_NODES, D_FEAT), dtype=jnp.float32)
    w = jax.random.uniform(k2, (N_EDGES,), dtype=jnp.float32)
    edge_index = jax.random.randint(k3, (2, N_EDGES), 0, N_NODES, dtype=jnp.int32)
    # nn.Linear(in_feats*2, n_classes): weight [OUT, 2*D], bias [OUT]
    bound = 1.0 / np.sqrt(2 * D_FEAT)
    W_weight = jax.random.uniform(k4, (OUT_DIM, 2 * D_FEAT), dtype=jnp.float32, minval=-bound, maxval=bound)
    W_bias = jnp.zeros((OUT_DIM,), dtype=jnp.float32)
    return {"edge_index": edge_index, "x": x, "w": w, "W_weight": W_weight, "W_bias": W_bias}


def reference(edge_index, x, w, W_weight, W_bias):
    src = edge_index[0]
    dst = edge_index[1]
    N = x.shape[0]  # homogeneous graph: n_src = n_dst = N
    x_dst = x[:N]
    # first update_all: u_mul_e + sum  (result 'y' is overwritten by second update_all, as in original)
    y_weighted = jax.ops.segment_sum(x[src] * w[:, None], dst, num_segments=N)
    # second update_all: copy_u + mean -> y
    msg_sum = jax.ops.segment_sum(x[src], dst, num_segments=N)
    deg = jax.ops.segment_sum(jnp.ones_like(w), dst, num_segments=N)
    y = msg_sum / jnp.clip(deg, 1.0, None)[:, None]
    h = jnp.concatenate([x_dst, y], axis=1) @ W_weight.T + W_bias
    mean_x = jnp.mean(y, axis=0)
    # srcdata['u_sum'] interpreted as per-source sum of outgoing edge weights
    u_sum = jax.ops.segment_sum(w, src, num_segments=N)
    mean_u = u_sum / N
    diff = mean_u[:, None] * x - mean_x[None, :]
    reg_loss = jnp.sum(diff * diff) / (N * OUT_DIM)
    return (h, reg_loss)

if __name__ == "__main__":
    import jax
    _d = setup_inputs()
    print(jax.jit(kernel)(*tuple(_d.values())))

</pallas_src>

<mosaic_0001>
#map = affine_map<(d0, d1) -> (0, 0)>
#map1 = affine_map<(d0, d1) -> (0, 0, 0, 0, 0)>
#map2 = affine_map<(d0, d1) -> (0, 0, 0, 0)>
module attributes {stable_mosaic.version = 14 : i64} {
  func.func @_sc_segment_kernel(%arg0: i32, %arg1: i32, %arg2: memref<10240x144xf32, #tpu.memory_space<hbm>>, %arg3: memref<32x64x2x2x80xi32, #tpu.memory_space<hbm>>, %arg4: memref<32x64x160x16xf32, #tpu.memory_space<hbm>>, %arg5: memref<20480x128xf32, #tpu.memory_space<hbm>>, %arg6: memref<20480x16xf32, #tpu.memory_space<hbm>>, %arg7: memref<20480x16xf32, #tpu.memory_space<hbm>>, %arg8: memref<2x2x80xi32, #tpu.memory_space<vmem>>, %arg9: memref<80x144xf32, #tpu.memory_space<vmem>>, %arg10: memref<80x144xf32, #tpu.memory_space<vmem>>, %arg11: memref<160x16xf32, #tpu.memory_space<vmem>>, %arg12: memref<10240x144xf32, #tpu.memory_space<vmem_shared>>, %arg13: memref<10240x16xf32, #tpu.memory_space<vmem_shared>>, %arg14: memref<!tpu.dma_semaphore, #tpu.memory_space<semaphore_mem>>, %arg15: memref<!tpu.dma_semaphore, #tpu.memory_space<semaphore_mem>>, %arg16: memref<!tpu.dma_semaphore, #tpu.memory_space<semaphore_mem>>, %arg17: memref<!tpu.dma_semaphore, #tpu.memory_space<semaphore_mem>>) attributes {dimension_semantics = [#tpu.dimension_semantics<core_parallel>, #tpu.dimension_semantics<subcore_parallel>], iteration_bounds = array<i64: 2, 16>, scalar_prefetch = 0 : i64, scratch_operands = 10 : i64, tpu.core_type = #tpu.core_type<sc_vector_subcore>, window_params = [{transform_indices = #map}, {transform_indices = #map1}, {transform_indices = #map2}, {transform_indices = #map}, {transform_indices = #map}, {transform_indices = #map}]} {
    %mul3A = arith.constant 16 : i32
    %mul3A_0 = arith.muli %arg0, %mul3A : i32
    %add3A = arith.addi %mul3A_0, %arg1 : i32
    %broadcast_in_dim3A = arith.constant 0.000000e+00 : f32
    %broadcast_in_dim3A_1 = vector.broadcast %broadcast_in_dim3A : f32 to vector<16xf32>
    %scan3A = arith.constant 0 : i32
    %scan3A_2 = arith.constant 0 : i32
    %scan3A_3 = arith.constant 80 : i32
    %scan3A_4 = arith.addi %scan3A_2, %scan3A_3 : i32
    %scan3A_5 = arith.constant 1 : i32
    %scan3A_6 = scf.for %scan3A_45 = %scan3A_2 to %scan3A_4 step %scan3A_5 iter_args(%scan3A_46 = %scan3A) -> (i32)  : i32 {
      %swap3A = arith.index_cast %scan3A_45 : i32 to index
      %swap3A_47 = arith.constant 0 : index
      %swap3A_48 = tpu.vector_load %arg9[%swap3A, %swap3A_47] {strides = array<i32>} : memref<80x144xf32, #tpu.memory_space<vmem>>, vector<1x16xf32>,
      %swap3A_49 = vector.shape_cast %swap3A_48 : vector<1x16xf32> to vector<16xf32>
      %swap3A_50 = vector.shape_cast %broadcast_in_dim3A_1 : vector<16xf32> to vector<1x16xf32>
      tpu.vector_store %arg9[%swap3A, %swap3A_47], %swap3A_50 {strides = array<i32>} : memref<80x144xf32, #tpu.memory_space<vmem>>, vector<1x16xf32>,
      %swap3A_51 = arith.index_cast %scan3A_45 : i32 to index
      %swap3A_52 = arith.constant 16 : index
      %swap3A_53 = tpu.vector_load %arg9[%swap3A_51, %swap3A_52] {strides = array<i32>} : memref<80x144xf32, #tpu.memory_space<vmem>>, vector<1x16xf32>,
      %swap3A_54 = vector.shape_cast %swap3A_53 : vector<1x16xf32> to vector<16xf32>
      %swap3A_55 = vector.shape_cast %broadcast_in_dim3A_1 : vector<16xf32> to vector<1x16xf32>
      tpu.vector_store %arg9[%swap3A_51, %swap3A_52], %swap3A_55 {strides = array<i32>} : memref<80x144xf32, #tpu.memory_space<vmem>>, vector<1x16xf32>,
      %swap3A_56 = arith.index_cast %scan3A_45 : i32 to index
      %swap3A_57 = arith.constant 32 : index
      %swap3A_58 = tpu.vector_load %arg9[%swap3A_56, %swap3A_57] {strides = array<i32>} : memref<80x144xf32, #tpu.memory_space<vmem>>, vector<1x16xf32>,
      %swap3A_59 = vector.shape_cast %swap3A_58 : vector<1x16xf32> to vector<16xf32>
      %swap3A_60 = vector.shape_cast %broadcast_in_dim3A_1 : vector<16xf32> to vector<1x16xf32>
      tpu.vector_store %arg9[%swap3A_56, %swap3A_57], %swap3A_60 {strides = array<i32>} : memref<80x144xf32, #tpu.memory_space<vmem>>, vector<1x16xf32>,
      %swap3A_61 = arith.index_cast %scan3A_45 : i32 to index
      %swap3A_62 = arith.constant 48 : index
      %swap3A_63 = tpu.vector_load %arg9[%swap3A_61, %swap3A_62] {strides = array<i32>} : memref<80x144xf32, #tpu.memory_space<vmem>>, vector<1x16xf32>,
      %swap3A_64 = vector.shape_cast %swap3A_63 : vector<1x16xf32> to vector<16xf32>
      %swap3A_65 = vector.shape_cast %broadcast_in_dim3A_1 : vector<16xf32> to vector<1x16xf32>
      tpu.vector_store %arg9[%swap3A_61, %swap3A_62], %swap3A_65 {strides = array<i32>} : memref<80x144xf32, #tpu.memory_space<vmem>>, vector<1x16xf32>,
      %swap3A_66 = arith.index_cast %scan3A_45 : i32 to index
      %swap3A_67 = arith.constant 64 : index
      %swap3A_68 = tpu.vector_load %arg9[%swap3A_66, %swap3A_67] {strides = array<i32>} : memref<80x144xf32, #tpu.memory_space<vmem>>, vector<1x16xf32>,
      %swap3A_69 = vector.shape_cast %swap3A_68 : vector<1x16xf32> to vector<16xf32>
      %swap3A_70 = vector.shape_cast %broadcast_in_dim3A_1 : vector<16xf32> to vector<1x16xf32>
      tpu.vector_store %arg9[%swap3A_66, %swap3A_67], %swap3A_70 {strides = array<i32>} : memref<80x144xf32, #tpu.memory_space<vmem>>, vector<1x16xf32>,
      %swap3A_71 = arith.index_cast %scan3A_45 : i32 to index
      %swap3A_72 = arith.constant 80 : index
      %swap3A_73 = tpu.vector_load %arg9[%swap3A_71, %swap3A_72] {strides = array<i32>} : memref<80x144xf32, #tpu.memory_space<vmem>>, vector<1x16xf32>,
      %swap3A_74 = vector.shape_cast %swap3A_73 : vector<1x16xf32> to vector<16xf32>
      %swap3A_75 = vector.shape_cast %broadcast_in_dim3A_1 : vector<16xf32> to vector<1x16xf32>
      tpu.vector_store %arg9[%swap3A_71, %swap3A_72], %swap3A_75 {strides = array<i32>} : memref<80x144xf32, #tpu.memory_space<vmem>>, vector<1x16xf32>,
      %swap3A_76 = arith.index_cast %scan3A_45 : i32 to index
      %swap3A_77 = arith.constant 96 : index
      %swap3A_78 = tpu.vector_load %arg9[%swap3A_76, %swap3A_77] {strides = array<i32>} : memref<80x144xf32, #tpu.memory_space<vmem>>, vector<1x16xf32>,
      %swap3A_79 = vector.shape_cast %swap3A_78 : vector<1x16xf32> to vector<16xf32>
      %swap3A_80 = vector.shape_cast %broadcast_in_dim3A_1 : vector<16xf32> to vector<1x16xf32>
      tpu.vector_store %arg9[%swap3A_76, %swap3A_77], %swap3A_80 {strides = array<i32>} : memref<80x144xf32, #tpu.memory_space<vmem>>, vector<1x16xf32>,
      %swap3A_81 = arith.index_cast %scan3A_45 : i32 to index
      %swap3A_82 = arith.constant 112 : index
      %swap3A_83 = tpu.vector_load %arg9[%swap3A_81, %swap3A_82] {strides = array<i32>} : memref<80x144xf32, #tpu.memory_space<vmem>>, vector<1x16xf32>,
      %swap3A_84 = vector.shape_cast %swap3A_83 : vector<1x16xf32> to vector<16xf32>
      %swap3A_85 = vector.shape_cast %broadcast_in_dim3A_1 : vector<16xf32> to vector<1x16xf32>
      tpu.vector_store %arg9[%swap3A_81, %swap3A_82], %swap3A_85 {strides = array<i32>} : memref<80x144xf32, #tpu.memory_space<vmem>>, vector<1x16xf32>,
      %swap3A_86 = arith.index_cast %scan3A_45 : i32 to index
      %swap3A_87 = arith.constant 128 : index
      %swap3A_88 = tpu.vector_load %arg9[%swap3A_86, %swap3A_87] {strides = array<i32>} : memref<80x144xf32, #tpu.memory_space<vmem>>, vector<1x16xf32>,
      %swap3A_89 = vector.shape_cast %swap3A_88 : vector<1x16xf32> to vector<16xf32>
      %swap3A_90 = vector.shape_cast %broadcast_in_dim3A_1 : vector<16xf32> to vector<1x16xf32>
      tpu.vector_store %arg9[%swap3A_86, %swap3A_87], %swap3A_90 {strides = array<i32>} : memref<80x144xf32, #tpu.memory_space<vmem>>, vector<1x16xf32>,
      %swap3A_91 = arith.index_cast %scan3A_45 : i32 to index
      %swap3A_92 = arith.constant 0 : index
      %swap3A_93 = tpu.vector_load %arg11[%swap3A_91, %swap3A_92] {strides = array<i32>} : memref<160x16xf32, #tpu.memory_space<vmem>>, vector<1x16xf32>,
      %swap3A_94 = vector.shape_cast %swap3A_93 : vector<1x16xf32> to vector<16xf32>
      %swap3A_95 = vector.shape_cast %broadcast_in_dim3A_1 : vector<16xf32> to vector<1x16xf32>
      tpu.vector_store %arg11[%swap3A_91, %swap3A_92], %swap3A_95 {strides = array<i32>} : memref<160x16xf32, #tpu.memory_space<vmem>>, vector<1x16xf32>,
      %add3A_96 = arith.constant 80 : i32
      %add3A_97 = arith.addi %scan3A_45, %add3A_96 : i32
      %swap3A_98 = arith.index_cast %add3A_97 : i32 to index
      %swap3A_99 = arith.constant 0 : index
      %swap3A_100 = tpu.vector_load %arg11[%swap3A_98, %swap3A_99] {strides = array<i32>} : memref<160x16xf32, #tpu.memory_space<vmem>>, vector<1x16xf32>,
      %swap3A_101 = vector.shape_cast %swap3A_100 : vector<1x16xf32> to vector<16xf32>
      %swap3A_102 = vector.shape_cast %broadcast_in_dim3A_1 : vector<16xf32> to vector<1x16xf32>
      tpu.vector_store %arg11[%swap3A_98, %swap3A_99], %swap3A_102 {strides = array<i32>} : memref<160x16xf32, #tpu.memory_space<vmem>>, vector<1x16xf32>,
      %scan3A_103 = arith.constant 0 : i32
      scf.yield %scan3A_103 : i32
    }
    %scan3A_7 = arith.constant 80 : i32
    %mul3A_8 = arith.constant 640 : i32
    %mul3A_9 = arith.muli %arg1, %mul3A_8 : i32
    %add3A_10 = arith.constant 0 : i32
    %add3A_11 = arith.addi %mul3A_9, %add3A_10 : i32
    "tpu.region"() ({
      %run_scoped3A = tpu.sem_alloc : memref<!tpu.dma_semaphore, #tpu.memory_space<semaphore_mem>>
      %dma_start3A = arith.constant 0 : i32
      %dma_start3A_45 = tpu.memref_slice %arg12[%add3A_11, %dma_start3A] : memref<10240x144xf32, #tpu.memory_space<vmem_shared>> -> memref<80x144xf32, #tpu.memory_space<vmem_shared>>
      %dma_start3A_46 = arith.constant 0 : i32
      %dma_start3A_47 = tpu.memref_slice %arg12[%add3A_11, %dma_start3A_46] : memref<10240x144xf32, #tpu.memory_space<vmem_shared>> -> memref<80x144xf32, #tpu.memory_space<vmem_shared>>
      tpu.enqueue_dma source(%arg9 : memref<80x144xf32, #tpu.memory_space<vmem>>) target(%dma_start3A_47 : memref<80x144xf32, #tpu.memory_space<vmem_shared>>) target_semaphore(%run_scoped3A : memref<!tpu.dma_semaphore, #tpu.memory_space<semaphore_mem>>)
      %dma_wait3A = arith.constant 0 : i32
      %dma_wait3A_48 = tpu.memref_slice %arg12[%add3A_11, %dma_wait3A] : memref<10240x144xf32, #tpu.memory_space<vmem_shared>> -> memref<80x144xf32, #tpu.memory_space<vmem_shared>>
      %dma_wait3A_49 = arith.constant 0 : i32
      %dma_wait3A_50 = tpu.memref_slice %arg12[%add3A_11, %dma_wait3A_49] : memref<10240x144xf32, #tpu.memory_space<vmem_shared>> -> memref<80x144xf32, #tpu.memory_space<vmem_shared>>
      tpu.wait_dma2 semaphore(%run_scoped3A : memref<!tpu.dma_semaphore, #tpu.memory_space<semaphore_mem>>) src(%arg9 : memref<80x144xf32, #tpu.memory_space<vmem>>) dst(%dma_wait3A_50 : memref<80x144xf32, #tpu.memory_space<vmem_shared>>)
      tpu.yield
    }) : () -> ()
    %add3A_12 = arith.constant 80 : i32
    %add3A_13 = arith.addi %mul3A_9, %add3A_12 : i32
    "tpu.region"() ({
      %run_scoped3A = tpu.sem_alloc : memref<!tpu.dma_semaphore, #tpu.memory_space<semaphore_mem>>
      %dma_start3A = arith.constant 0 : i32
      %dma_start3A_45 = tpu.memref_slice %arg12[%add3A_13, %dma_start3A] : memref<10240x144xf32, #tpu.memory_space<vmem_shared>> -> memref<80x144xf32, #tpu.memory_space<vmem_shared>>
      %dma_start3A_46 = arith.constant 0 : i32
      %dma_start3A_47 = tpu.memref_slice %arg12[%add3A_13, %dma_start3A_46] : memref<10240x144xf32, #tpu.memory_space<vmem_shared>> -> memref<80x144xf32, #tpu.memory_space<vmem_shared>>
      tpu.enqueue_dma source(%arg9 : memref<80x144xf32, #tpu.memory_space<vmem>>) target(%dma_start3A_47 : memref<80x144xf32, #tpu.memory_space<vmem_shared>>) target_semaphore(%run_scoped3A : memref<!tpu.dma_semaphore, #tpu.memory_space<semaphore_mem>>)
      %dma_wait3A = arith.constant 0 : i32
      %dma_wait3A_48 = tpu.memref_slice %arg12[%add3A_13, %dma_wait3A] : memref<10240x144xf32, #tpu.memory_space<vmem_shared>> -> memref<80x144xf32, #tpu.memory_space<vmem_shared>>
      %dma_wait3A_49 = arith.constant 0 : i32
      %dma_wait3A_50 = tpu.memref_slice %arg12[%add3A_13, %dma_wait3A_49] : memref<10240x144xf32, #tpu.memory_space<vmem_shared>> -> memref<80x144xf32, #tpu.memory_space<vmem_shared>>
      tpu.wait_dma2 semaphore(%run_scoped3A : memref<!tpu.dma_semaphore, #tpu.memory_space<semaphore_mem>>) src(%arg9 : memref<80x144xf32, #tpu.memory_space<vmem>>) dst(%dma_wait3A_50 : memref<80x144xf32, #tpu.memory_space<vmem_shared>>)
      tpu.yield
    }) : () -> ()
    %add3A_14 = arith.constant 160 : i32
    %add3A_15 = arith.addi %mul3A_9, %add3A_14 : i32
    "tpu.region"() ({
      %run_scoped3A = tpu.sem_alloc : memref<!tpu.dma_semaphore, #tpu.memory_space<semaphore_mem>>
      %dma_start3A = arith.constant 0 : i32
      %dma_start3A_45 = tpu.memref_slice %arg12[%add3A_15, %dma_start3A] : memref<10240x144xf32, #tpu.memory_space<vmem_shared>> -> memref<80x144xf32, #tpu.memory_space<vmem_shared>>
      %dma_start3A_46 = arith.constant 0 : i32
      %dma_start3A_47 = tpu.memref_slice %arg12[%add3A_15, %dma_start3A_46] : memref<10240x144xf32, #tpu.memory_space<vmem_shared>> -> memref<80x144xf32, #tpu.memory_space<vmem_shared>>
      tpu.enqueue_dma source(%arg9 : memref<80x144xf32, #tpu.memory_space<vmem>>) target(%dma_start3A_47 : memref<80x144xf32, #tpu.memory_space<vmem_shared>>) target_semaphore(%run_scoped3A : memref<!tpu.dma_semaphore, #tpu.memory_space<semaphore_mem>>)
      %dma_wait3A = arith.constant 0 : i32
      %dma_wait3A_48 = tpu.memref_slice %arg12[%add3A_15, %dma_wait3A] : memref<10240x144xf32, #tpu.memory_space<vmem_shared>> -> memref<80x144xf32, #tpu.memory_space<vmem_shared>>
      %dma_wait3A_49 = arith.constant 0 : i32
      %dma_wait3A_50 = tpu.memref_slice %arg12[%add3A_15, %dma_wait3A_49] : memref<10240x144xf32, #tpu.memory_space<vmem_shared>> -> memref<80x144xf32, #tpu.memory_space<vmem_shared>>
      tpu.wait_dma2 semaphore(%run_scoped3A : memref<!tpu.dma_semaphore, #tpu.memory_space<semaphore_mem>>) src(%arg9 : memref<80x144xf32, #tpu.memory_space<vmem>>) dst(%dma_wait3A_50 : memref<80x144xf32, #tpu.memory_space<vmem_shared>>)
      tpu.yield
    }) : () -> ()
    %add3A_16 = arith.constant 240 : i32
    %add3A_17 = arith.addi %mul3A_9, %add3A_16 : i32
    "tpu.region"() ({
      %run_scoped3A = tpu.sem_alloc : memref<!tpu.dma_semaphore, #tpu.memory_space<semaphore_mem>>
      %dma_start3A = arith.constant 0 : i32
      %dma_start3A_45 = tpu.memref_slice %arg12[%add3A_17, %dma_start3A] : memref<10240x144xf32, #tpu.memory_space<vmem_shared>> -> memref<80x144xf32, #tpu.memory_space<vmem_shared>>
      %dma_start3A_46 = arith.constant 0 : i32
      %dma_start3A_47 = tpu.memref_slice %arg12[%add3A_17, %dma_start3A_46] : memref<10240x144xf32, #tpu.memory_space<vmem_shared>> -> memref<80x144xf32, #tpu.memory_space<vmem_shared>>
      tpu.enqueue_dma source(%arg9 : memref<80x144xf32, #tpu.memory_space<vmem>>) target(%dma_start3A_47 : memref<80x144xf32, #tpu.memory_space<vmem_shared>>) target_semaphore(%run_scoped3A : memref<!tpu.dma_semaphore, #tpu.memory_space<semaphore_mem>>)
      %dma_wait3A = arith.constant 0 : i32
      %dma_wait3A_48 = tpu.memref_slice %arg12[%add3A_17, %dma_wait3A] : memref<10240x144xf32, #tpu.memory_space<vmem_shared>> -> memref<80x144xf32, #tpu.memory_space<vmem_shared>>
      %dma_wait3A_49 = arith.constant 0 : i32
      %dma_wait3A_50 = tpu.memref_slice %arg12[%add3A_17, %dma_wait3A_49] : memref<10240x144xf32, #tpu.memory_space<vmem_shared>> -> memref<80x144xf32, #tpu.memory_space<vmem_shared>>
      tpu.wait_dma2 semaphore(%run_scoped3A : memref<!tpu.dma_semaphore, #tpu.memory_space<semaphore_mem>>) src(%arg9 : memref<80x144xf32, #tpu.memory_space<vmem>>) dst(%dma_wait3A_50 : memref<80x144xf32, #tpu.memory_space<vmem_shared>>)
      tpu.yield
    }) : () -> ()
    %add3A_18 = arith.constant 320 : i32
    %add3A_19 = arith.addi %mul3A_9, %add3A_18 : i32
    "tpu.region"() ({
      %run_scoped3A = tpu.sem_alloc : memref<!tpu.dma_semaphore, #tpu.memory_space<semaphore_mem>>
      %dma_start3A = arith.constant 0 : i32
      %dma_start3A_45 = tpu.memref_slice %arg12[%add3A_19, %dma_start3A] : memref<10240x144xf32, #tpu.memory_space<vmem_shared>> -> memref<80x144xf32, #tpu.memory_space<vmem_shared>>
      %dma_start3A_46 = arith.constant 0 : i32
      %dma_start3A_47 = tpu.memref_slice %arg12[%add3A_19, %dma_start3A_46] : memref<10240x144xf32, #tpu.memory_space<vmem_shared>> -> memref<80x144xf32, #tpu.memory_space<vmem_shared>>
      tpu.enqueue_dma source(%arg9 : memref<80x144xf32, #tpu.memory_space<vmem>>) target(%dma_start3A_47 : memref<80x144xf32, #tpu.memory_space<vmem_shared>>) target_semaphore(%run_scoped3A : memref<!tpu.dma_semaphore, #tpu.memory_space<semaphore_mem>>)
      %dma_wait3A = arith.constant 0 : i32
      %dma_wait3A_48 = tpu.memref_slice %arg12[%add3A_19, %dma_wait3A] : memref<10240x144xf32, #tpu.memory_space<vmem_shared>> -> memref<80x144xf32, #tpu.memory_space<vmem_shared>>
      %dma_wait3A_49 = arith.constant 0 : i32
      %dma_wait3A_50 = tpu.memref_slice %arg12[%add3A_19, %dma_wait3A_49] : memref<10240x144xf32, #tpu.memory_space<vmem_shared>> -> memref<80x144xf32, #tpu.memory_space<vmem_shared>>
      tpu.wait_dma2 semaphore(%run_scoped3A : memref<!tpu.dma_semaphore, #tpu.memory_space<semaphore_mem>>) src(%arg9 : memref<80x144xf32, #tpu.memory_space<vmem>>) dst(%dma_wait3A_50 : memref<80x144xf32, #tpu.memory_space<vmem_shared>>)
      tpu.yield
    }) : () -> ()
    %add3A_20 = arith.constant 400 : i32
    %add3A_21 = arith.addi %mul3A_9, %add3A_20 : i32
    "tpu.region"() ({
      %run_scoped3A = tpu.sem_alloc : memref<!tpu.dma_semaphore, #tpu.memory_space<semaphore_mem>>
      %dma_start3A = arith.constant 0 : i32
      %dma_start3A_45 = tpu.memref_slice %arg12[%add3A_21, %dma_start3A] : memref<10240x144xf32, #tpu.memory_space<vmem_shared>> -> memref<80x144xf32, #tpu.memory_space<vmem_shared>>
      %dma_start3A_46 = arith.constant 0 : i32
      %dma_start3A_47 = tpu.memref_slice %arg12[%add3A_21, %dma_start3A_46] : memref<10240x144xf32, #tpu.memory_space<vmem_shared>> -> memref<80x144xf32, #tpu.memory_space<vmem_shared>>
      tpu.enqueue_dma source(%arg9 : memref<80x144xf32, #tpu.memory_space<vmem>>) target(%dma_start3A_47 : memref<80x144xf32, #tpu.memory_space<vmem_shared>>) target_semaphore(%run_scoped3A : memref<!tpu.dma_semaphore, #tpu.memory_space<semaphore_mem>>)
      %dma_wait3A = arith.constant 0 : i32
      %dma_wait3A_48 = tpu.memref_slice %arg12[%add3A_21, %dma_wait3A] : memref<10240x144xf32, #tpu.memory_space<vmem_shared>> -> memref<80x144xf32, #tpu.memory_space<vmem_shared>>
      %dma_wait3A_49 = arith.constant 0 : i32
      %dma_wait3A_50 = tpu.memref_slice %arg12[%add3A_21, %dma_wait3A_49] : memref<10240x144xf32, #tpu.memory_space<vmem_shared>> -> memref<80x144xf32, #tpu.memory_space<vmem_shared>>
      tpu.wait_dma2 semaphore(%run_scoped3A : memref<!tpu.dma_semaphore, #tpu.memory_space<semaphore_mem>>) src(%arg9 : memref<80x144xf32, #tpu.memory_space<vmem>>) dst(%dma_wait3A_50 : memref<80x144xf32, #tpu.memory_space<vmem_shared>>)
      tpu.yield
    }) : () -> ()
    %add3A_22 = arith.constant 480 : i32
    %add3A_23 = arith.addi %mul3A_9, %add3A_22 : i32
    "tpu.region"() ({
      %run_scoped3A = tpu.sem_alloc : memref<!tpu.dma_semaphore, #tpu.memory_space<semaphore_mem>>
      %dma_start3A = arith.constant 0 : i32
      %dma_start3A_45 = tpu.memref_slice %arg12[%add3A_23, %dma_start3A] : memref<10240x144xf32, #tpu.memory_space<vmem_shared>> -> memref<80x144xf32, #tpu.memory_space<vmem_shared>>
      %dma_start3A_46 = arith.constant 0 : i32
      %dma_start3A_47 = tpu.memref_slice %arg12[%add3A_23, %dma_start3A_46] : memref<10240x144xf32, #tpu.memory_space<vmem_shared>> -> memref<80x144xf32, #tpu.memory_space<vmem_shared>>
      tpu.enqueue_dma source(%arg9 : memref<80x144xf32, #tpu.memory_space<vmem>>) target(%dma_start3A_47 : memref<80x144xf32, #tpu.memory_space<vmem_shared>>) target_semaphore(%run_scoped3A : memref<!tpu.dma_semaphore, #tpu.memory_space<semaphore_mem>>)
      %dma_wait3A = arith.constant 0 : i32
      %dma_wait3A_48 = tpu.memref_slice %arg12[%add3A_23, %dma_wait3A] : memref<10240x144xf32, #tpu.memory_space<vmem_shared>> -> memref<80x144xf32, #tpu.memory_space<vmem_shared>>
      %dma_wait3A_49 = arith.constant 0 : i32
      %dma_wait3A_50 = tpu.memref_slice %arg12[%add3A_23, %dma_wait3A_49] : memref<10240x144xf32, #tpu.memory_space<vmem_shared>> -> memref<80x144xf32, #tpu.memory_space<vmem_shared>>
      tpu.wait_dma2 semaphore(%run_scoped3A : memref<!tpu.dma_semaphore, #tpu.memory_space<semaphore_mem>>) src(%arg9 : memref<80x144xf32, #tpu.memory_space<vmem>>) dst(%dma_wait3A_50 : memref<80x144xf32, #tpu.memory_space<vmem_shared>>)
      tpu.yield
    }) : () -> ()
    %add3A_24 = arith.constant 560 : i32
    %add3A_25 = arith.addi %mul3A_9, %add3A_24 : i32
    "tpu.region"() ({
      %run_scoped3A = tpu.sem_alloc : memref<!tpu.dma_semaphore, #tpu.memory_space<semaphore_mem>>
      %dma_start3A = arith.constant 0 : i32
      %dma_start3A_45 = tpu.memref_slice %arg12[%add3A_25, %dma_start3A] : memref<10240x144xf32, #tpu.memory_space<vmem_shared>> -> memref<80x144xf32, #tpu.memory_space<vmem_shared>>
      %dma_start3A_46 = arith.constant 0 : i32
      %dma_start3A_47 = tpu.memref_slice %arg12[%add3A_25, %dma_start3A_46] : memref<10240x144xf32, #tpu.memory_space<vmem_shared>> -> memref<80x144xf32, #tpu.memory_space<vmem_shared>>
      tpu.enqueue_dma source(%arg9 : memref<80x144xf32, #tpu.memory_space<vmem>>) target(%dma_start3A_47 : memref<80x144xf32, #tpu.memory_space<vmem_shared>>) target_semaphore(%run_scoped3A : memref<!tpu.dma_semaphore, #tpu.memory_space<semaphore_mem>>)
      %dma_wait3A = arith.constant 0 : i32
      %dma_wait3A_48 = tpu.memref_slice %arg12[%add3A_25, %dma_wait3A] : memref<10240x144xf32, #tpu.memory_space<vmem_shared>> -> memref<80x144xf32, #tpu.memory_space<vmem_shared>>
      %dma_wait3A_49 = arith.constant 0 : i32
      %dma_wait3A_50 = tpu.memref_slice %arg12[%add3A_25, %dma_wait3A_49] : memref<10240x144xf32, #tpu.memory_space<vmem_shared>> -> memref<80x144xf32, #tpu.memory_space<vmem_shared>>
      tpu.wait_dma2 semaphore(%run_scoped3A : memref<!tpu.dma_semaphore, #tpu.memory_space<semaphore_mem>>) src(%arg9 : memref<80x144xf32, #tpu.memory_space<vmem>>) dst(%dma_wait3A_50 : memref<80x144xf32, #tpu.memory_space<vmem_shared>>)
      tpu.yield
    }) : () -> ()
    %add3A_26 = arith.constant 0 : i32
    %add3A_27 = arith.addi %mul3A_9, %add3A_26 : i32
    "tpu.region"() ({
      %run_scoped3A = tpu.sem_alloc : memref<!tpu.dma_semaphore, #tpu.memory_space<semaphore_mem>>
      %dma_start3A = arith.constant 0 : i32
      %dma_start3A_45 = tpu.memref_slice %arg13[%add3A_27, %dma_start3A] : memref<10240x16xf32, #tpu.memory_space<vmem_shared>> -> memref<160x16xf32, #tpu.memory_space<vmem_shared>>
      %dma_start3A_46 = arith.constant 0 : i32
      %dma_start3A_47 = tpu.memref_slice %arg13[%add3A_27, %dma_start3A_46] : memref<10240x16xf32, #tpu.memory_space<vmem_shared>> -> memref<160x16xf32, #tpu.memory_space<vmem_shared>>
      tpu.enqueue_dma source(%arg11 : memref<160x16xf32, #tpu.memory_space<vmem>>) target(%dma_start3A_47 : memref<160x16xf32, #tpu.memory_space<vmem_shared>>) target_semaphore(%run_scoped3A : memref<!tpu.dma_semaphore, #tpu.memory_space<semaphore_mem>>)
      %dma_wait3A = arith.constant 0 : i32
      %dma_wait3A_48 = tpu.memref_slice %arg13[%add3A_27, %dma_wait3A] : memref<10240x16xf32, #tpu.memory_space<vmem_shared>> -> memref<160x16xf32, #tpu.memory_space<vmem_shared>>
      %dma_wait3A_49 = arith.constant 0 : i32
      %dma_wait3A_50 = tpu.memref_slice %arg13[%add3A_27, %dma_wait3A_49] : memref<10240x16xf32, #tpu.memory_space<vmem_shared>> -> memref<160x16xf32, #tpu.memory_space<vmem_shared>>
      tpu.wait_dma2 semaphore(%run_scoped3A : memref<!tpu.dma_semaphore, #tpu.memory_space<semaphore_mem>>) src(%arg11 : memref<160x16xf32, #tpu.memory_space<vmem>>) dst(%dma_wait3A_50 : memref<160x16xf32, #tpu.memory_space<vmem_shared>>)
      tpu.yield
    }) : () -> ()
    %add3A_28 = arith.constant 160 : i32
    %add3A_29 = arith.addi %mul3A_9, %add3A_28 : i32
    "tpu.region"() ({
      %run_scoped3A = tpu.sem_alloc : memref<!tpu.dma_semaphore, #tpu.memory_space<semaphore_mem>>
      %dma_start3A = arith.constant 0 : i32
      %dma_start3A_45 = tpu.memref_slice %arg13[%add3A_29, %dma_start3A] : memref<10240x16xf32, #tpu.memory_space<vmem_shared>> -> memref<160x16xf32, #tpu.memory_space<vmem_shared>>
      %dma_start3A_46 = arith.constant 0 : i32
      %dma_start3A_47 = tpu.memref_slice %arg13[%add3A_29, %dma_start3A_46] : memref<10240x16xf32, #tpu.memory_space<vmem_shared>> -> memref<160x16xf32, #tpu.memory_space<vmem_shared>>
      tpu.enqueue_dma source(%arg11 : memref<160x16xf32, #tpu.memory_space<vmem>>) target(%dma_start3A_47 : memref<160x16xf32, #tpu.memory_space<vmem_shared>>) target_semaphore(%run_scoped3A : memref<!tpu.dma_semaphore, #tpu.memory_space<semaphore_mem>>)
      %dma_wait3A = arith.constant 0 : i32
      %dma_wait3A_48 = tpu.memref_slice %arg13[%add3A_29, %dma_wait3A] : memref<10240x16xf32, #tpu.memory_space<vmem_shared>> -> memref<160x16xf32, #tpu.memory_space<vmem_shared>>
      %dma_wait3A_49 = arith.constant 0 : i32
      %dma_wait3A_50 = tpu.memref_slice %arg13[%add3A_29, %dma_wait3A_49] : memref<10240x16xf32, #tpu.memory_space<vmem_shared>> -> memref<160x16xf32, #tpu.memory_space<vmem_shared>>
      tpu.wait_dma2 semaphore(%run_scoped3A : memref<!tpu.dma_semaphore, #tpu.memory_space<semaphore_mem>>) src(%arg11 : memref<160x16xf32, #tpu.memory_space<vmem>>) dst(%dma_wait3A_50 : memref<160x16xf32, #tpu.memory_space<vmem_shared>>)
      tpu.yield
    }) : () -> ()
    %add3A_30 = arith.constant 320 : i32
    %add3A_31 = arith.addi %mul3A_9, %add3A_30 : i32
    "tpu.region"() ({
      %run_scoped3A = tpu.sem_alloc : memref<!tpu.dma_semaphore, #tpu.memory_space<semaphore_mem>>
      %dma_start3A = arith.constant 0 : i32
      %dma_start3A_45 = tpu.memref_slice %arg13[%add3A_31, %dma_start3A] : memref<10240x16xf32, #tpu.memory_space<vmem_shared>> -> memref<160x16xf32, #tpu.memory_space<vmem_shared>>
      %dma_start3A_46 = arith.constant 0 : i32
      %dma_start3A_47 = tpu.memref_slice %arg13[%add3A_31, %dma_start3A_46] : memref<10240x16xf32, #tpu.memory_space<vmem_shared>> -> memref<160x16xf32, #tpu.memory_space<vmem_shared>>
      tpu.enqueue_dma source(%arg11 : memref<160x16xf32, #tpu.memory_space<vmem>>) target(%dma_start3A_47 : memref<160x16xf32, #tpu.memory_space<vmem_shared>>) target_semaphore(%run_scoped3A : memref<!tpu.dma_semaphore, #tpu.memory_space<semaphore_mem>>)
      %dma_wait3A = arith.constant 0 : i32
      %dma_wait3A_48 = tpu.memref_slice %arg13[%add3A_31, %dma_wait3A] : memref<10240x16xf32, #tpu.memory_space<vmem_shared>> -> memref<160x16xf32, #tpu.memory_space<vmem_shared>>
      %dma_wait3A_49 = arith.constant 0 : i32
      %dma_wait3A_50 = tpu.memref_slice %arg13[%add3A_31, %dma_wait3A_49] : memref<10240x16xf32, #tpu.memory_space<vmem_shared>> -> memref<160x16xf32, #tpu.memory_space<vmem_shared>>
      tpu.wait_dma2 semaphore(%run_scoped3A : memref<!tpu.dma_semaphore, #tpu.memory_space<semaphore_mem>>) src(%arg11 : memref<160x16xf32, #tpu.memory_space<vmem>>) dst(%dma_wait3A_50 : memref<160x16xf32, #tpu.memory_space<vmem_shared>>)
      tpu.yield
    }) : () -> ()
    %add3A_32 = arith.constant 480 : i32
    %add3A_33 = arith.addi %mul3A_9, %add3A_32 : i32
    "tpu.region"() ({
      %run_scoped3A = tpu.sem_alloc : memref<!tpu.dma_semaphore, #tpu.memory_space<semaphore_mem>>
      %dma_start3A = arith.constant 0 : i32
      %dma_start3A_45 = tpu.memref_slice %arg13[%add3A_33, %dma_start3A] : memref<10240x16xf32, #tpu.memory_space<vmem_shared>> -> memref<160x16xf32, #tpu.memory_space<vmem_shared>>
      %dma_start3A_46 = arith.constant 0 : i32
      %dma_start3A_47 = tpu.memref_slice %arg13[%add3A_33, %dma_start3A_46] : memref<10240x16xf32, #tpu.memory_space<vmem_shared>> -> memref<160x16xf32, #tpu.memory_space<vmem_shared>>
      tpu.enqueue_dma source(%arg11 : memref<160x16xf32, #tpu.memory_space<vmem>>) target(%dma_start3A_47 : memref<160x16xf32, #tpu.memory_space<vmem_shared>>) target_semaphore(%run_scoped3A : memref<!tpu.dma_semaphore, #tpu.memory_space<semaphore_mem>>)
      %dma_wait3A = arith.constant 0 : i32
      %dma_wait3A_48 = tpu.memref_slice %arg13[%add3A_33, %dma_wait3A] : memref<10240x16xf32, #tpu.memory_space<vmem_shared>> -> memref<160x16xf32, #tpu.memory_space<vmem_shared>>
      %dma_wait3A_49 = arith.constant 0 : i32
      %dma_wait3A_50 = tpu.memref_slice %arg13[%add3A_33, %dma_wait3A_49] : memref<10240x16xf32, #tpu.memory_space<vmem_shared>> -> memref<160x16xf32, #tpu.memory_space<vmem_shared>>
      tpu.wait_dma2 semaphore(%run_scoped3A : memref<!tpu.dma_semaphore, #tpu.memory_space<semaphore_mem>>) src(%arg11 : memref<160x16xf32, #tpu.memory_space<vmem>>) dst(%dma_wait3A_50 : memref<160x16xf32, #tpu.memory_space<vmem_shared>>)
      tpu.yield
    }) : () -> ()
    %barrier3A = arith.constant 0 : index
    tpu.barrier barrier_id(%barrier3A)
    %scan3A_34 = arith.constant 0 : i32
    %scan3A_35 = arith.constant 0 : i32
    %scan3A_36 = arith.constant 64 : i32
    %scan3A_37 = arith.addi %scan3A_35, %scan3A_36 : i32
    %scan3A_38 = arith.constant 1 : i32
    %scan3A_39 = scf.for %scan3A_45 = %scan3A_35 to %scan3A_37 step %scan3A_38 iter_args(%scan3A_46 = %scan3A_34) -> (i32)  : i32 {
      "tpu.region"() ({
        %run_scoped3A_113 = tpu.sem_alloc : memref<!tpu.dma_semaphore, #tpu.memory_space<semaphore_mem>>
        %dma_start3A_114 = arith.constant 0 : i32
        %dma_start3A_115 = arith.constant 0 : i32
        %dma_start3A_116 = arith.constant 0 : i32
        %dma_start3A_117 = tpu.memref_slice %arg3[%add3A, %scan3A_45, %dma_start3A_114, %dma_start3A_115, %dma_start3A_116] : memref<32x64x2x2x80xi32, #tpu.memory_space<hbm>> -> memref<1x1x2x2x80xi32, #tpu.memory_space<hbm>>
        %dma_start3A_118 = tpu.memref_squeeze %dma_start3A_117 : memref<1x1x2x2x80xi32, #tpu.memory_space<hbm>> -> memref<2x2x80xi32, #tpu.memory_space<hbm>>
        %dma_start3A_119 = arith.constant 0 : i32
        %dma_start3A_120 = arith.constant 0 : i32
        %dma_start3A_121 = arith.constant 0 : i32
        %dma_start3A_122 = tpu.memref_slice %arg3[%add3A, %scan3A_45, %dma_start3A_119, %dma_start3A_120, %dma_start3A_121] : memref<32x64x2x2x80xi32, #tpu.memory_space<hbm>> -> memref<1x1x2x2x80xi32, #tpu.memory_space<hbm>>
        %dma_start3A_123 = tpu.memref_squeeze %dma_start3A_122 : memref<1x1x2x2x80xi32, #tpu.memory_space<hbm>> -> memref<2x2x80xi32, #tpu.memory_space<hbm>>
        tpu.enqueue_dma source(%dma_start3A_123 : memref<2x2x80xi32, #tpu.memory_space<hbm>>) target(%arg8 : memref<2x2x80xi32, #tpu.memory_space<vmem>>) target_semaphore(%run_scoped3A_113 : memref<!tpu.dma_semaphore, #tpu.memory_space<semaphore_mem>>)
        %dma_wait3A_124 = arith.constant 0 : i32
        %dma_wait3A_125 = arith.constant 0 : i32
        %dma_wait3A_126 = arith.constant 0 : i32
        %dma_wait3A_127 = tpu.memref_slice %arg3[%add3A, %scan3A_45, %dma_wait3A_124, %dma_wait3A_125, %dma_wait3A_126] : memref<32x64x2x2x80xi32, #tpu.memory_space<hbm>> -> memref<1x1x2x2x80xi32, #tpu.memory_space<hbm>>
        %dma_wait3A_128 = tpu.memref_squeeze %dma_wait3A_127 : memref<1x1x2x2x80xi32, #tpu.memory_space<hbm>> -> memref<2x2x80xi32, #tpu.memory_space<hbm>>
        %dma_wait3A_129 = arith.constant 0 : i32
        %dma_wait3A_130 = arith.constant 0 : i32
        %dma_wait3A_131 = arith.constant 0 : i32
        %dma_wait3A_132 = tpu.memref_slice %arg3[%add3A, %scan3A_45, %dma_wait3A_129, %dma_wait3A_130, %dma_wait3A_131] : memref<32x64x2x2x80xi32, #tpu.memory_space<hbm>> -> memref<1x1x2x2x80xi32, #tpu.memory_space<hbm>>
        %dma_wait3A_133 = tpu.memref_squeeze %dma_wait3A_132 : memref<1x1x2x2x80xi32, #tpu.memory_space<hbm>> -> memref<2x2x80xi32, #tpu.memory_space<hbm>>
        tpu.wait_dma2 semaphore(%run_scoped3A_113 : memref<!tpu.dma_semaphore, #tpu.memory_space<semaphore_mem>>) src(%dma_wait3A_133 : memref<2x2x80xi32, #tpu.memory_space<hbm>>) dst(%arg8 : memref<2x2x80xi32, #tpu.memory_space<vmem>>)
        tpu.yield
      }) : () -> ()
      %dma_start3A = arith.constant 0 : i32
      %dma_start3A_47 = arith.constant 0 : i32
      %dma_start3A_48 = arith.constant 0 : i32
      %dma_start3A_49 = tpu.memref_slice %arg8[%dma_start3A, %dma_start3A_47, %dma_start3A_48] : memref<2x2x80xi32, #tpu.memory_space<vmem>> -> memref<1x1x80xi32, #tpu.memory_space<vmem>>
      %dma_start3A_50 = tpu.memref_squeeze %dma_start3A_49 : memref<1x1x80xi32, #tpu.memory_space<vmem>> -> memref<80xi32, #tpu.memory_space<vmem>>
      %dma_start3A_51 = arith.constant 0 : i32
      %dma_start3A_52 = arith.constant 0 : i32
      %dma_start3A_53 = tpu.memref_slice %arg2[%dma_start3A_51, %dma_start3A_52] : memref<10240x144xf32, #tpu.memory_space<hbm>> -> memref<10240x144xf32, #tpu.memory_space<hbm>>
      tpu.enqueue_indirect_dma source(%dma_start3A_53 : memref<10240x144xf32, #tpu.memory_space<hbm>>) target(%arg9 : memref<80x144xf32, #tpu.memory_space<vmem>>) offsets(%dma_start3A_50 : memref<80xi32, #tpu.memory_space<vmem>>) semaphore(%arg14 : memref<!tpu.dma_semaphore, #tpu.memory_space<semaphore_mem>>)
      %dma_start3A_54 = arith.constant 1 : i32
      %dma_start3A_55 = arith.constant 0 : i32
      %dma_start3A_56 = arith.constant 0 : i32
      %dma_start3A_57 = tpu.memref_slice %arg8[%dma_start3A_54, %dma_start3A_55, %dma_start3A_56] : memref<2x2x80xi32, #tpu.memory_space<vmem>> -> memref<1x1x80xi32, #tpu.memory_space<vmem>>
      %dma_start3A_58 = tpu.memref_squeeze %dma_start3A_57 : memref<1x1x80xi32, #tpu.memory_space<vmem>> -> memref<80xi32, #tpu.memory_space<vmem>>
      %dma_start3A_59 = arith.constant 0 : i32
      %dma_start3A_60 = arith.constant 0 : i32
      %dma_start3A_61 = tpu.memref_slice %arg2[%dma_start3A_59, %dma_start3A_60] : memref<10240x144xf32, #tpu.memory_space<hbm>> -> memref<10240x144xf32, #tpu.memory_space<hbm>>
      tpu.enqueue_indirect_dma source(%dma_start3A_61 : memref<10240x144xf32, #tpu.memory_space<hbm>>) target(%arg10 : memref<80x144xf32, #tpu.memory_space<vmem>>) offsets(%dma_start3A_58 : memref<80xi32, #tpu.memory_space<vmem>>) semaphore(%arg15 : memref<!tpu.dma_semaphore, #tpu.memory_space<semaphore_mem>>)
      "tpu.region"() ({
        %run_scoped3A_113 = tpu.sem_alloc : memref<!tpu.dma_semaphore, #tpu.memory_space<semaphore_mem>>
        %dma_start3A_114 = arith.constant 0 : i32
        %dma_start3A_115 = arith.constant 0 : i32
        %dma_start3A_116 = tpu.memref_slice %arg4[%add3A, %scan3A_45, %dma_start3A_114, %dma_start3A_115] : memref<32x64x160x16xf32, #tpu.memory_space<hbm>> -> memref<1x1x160x16xf32, #tpu.memory_space<hbm>>
        %dma_start3A_117 = tpu.memref_squeeze %dma_start3A_116 : memref<1x1x160x16xf32, #tpu.memory_space<hbm>> -> memref<160x16xf32, #tpu.memory_space<hbm>>
        %dma_start3A_118 = arith.constant 0 : i32
        %dma_start3A_119 = arith.constant 0 : i32
        %dma_start3A_120 = tpu.memref_slice %arg4[%add3A, %scan3A_45, %dma_start3A_118, %dma_start3A_119] : memref<32x64x160x16xf32, #tpu.memory_space<hbm>> -> memref<1x1x160x16xf32, #tpu.memory_space<hbm>>
        %dma_start3A_121 = tpu.memref_squeeze %dma_start3A_120 : memref<1x1x160x16xf32, #tpu.memory_space<hbm>> -> memref<160x16xf32, #tpu.memory_space<hbm>>
        tpu.enqueue_dma source(%dma_start3A_121 : memref<160x16xf32, #tpu.memory_space<hbm>>) target(%arg11 : memref<160x16xf32, #tpu.memory_space<vmem>>) target_semaphore(%run_scoped3A_113 : memref<!tpu.dma_semaphore, #tpu.memory_space<semaphore_mem>>)
        %dma_wait3A_122 = arith.constant 0 : i32
        %dma_wait3A_123 = arith.constant 0 : i32
        %dma_wait3A_124 = tpu.memref_slice %arg4[%add3A, %scan3A_45, %dma_wait3A_122, %dma_wait3A_123] : memref<32x64x160x16xf32, #tpu.memory_space<hbm>> -> memref<1x1x160x16xf32, #tpu.memory_space<hbm>>
        %dma_wait3A_125 = tpu.memref_squeeze %dma_wait3A_124 : memref<1x1x160x16xf32, #tpu.memory_space<hbm>> -> memref<160x16xf32, #tpu.memory_space<hbm>>
        %dma_wait3A_126 = arith.constant 0 : i32
        %dma_wait3A_127 = arith.constant 0 : i32
        %dma_wait3A_128 = tpu.memref_slice %arg4[%add3A, %scan3A_45, %dma_wait3A_126, %dma_wait3A_127] : memref<32x64x160x16xf32, #tpu.memory_space<hbm>> -> memref<1x1x160x16xf32, #tpu.memory_space<hbm>>
        %dma_wait3A_129 = tpu.memref_squeeze %dma_wait3A_128 : memref<1x1x160x16xf32, #tpu.memory_space<hbm>> -> memref<160x16xf32, #tpu.memory_space<hbm>>
        tpu.wait_dma2 semaphore(%run_scoped3A_113 : memref<!tpu.dma_semaphore, #tpu.memory_space<semaphore_mem>>) src(%dma_wait3A_129 : memref<160x16xf32, #tpu.memory_space<hbm>>) dst(%arg11 : memref<160x16xf32, #tpu.memory_space<vmem>>)
        tpu.yield
      }) : () -> ()
      %dma_wait3A = arith.constant 0 : i32
      %dma_wait3A_62 = arith.constant 0 : i32
      %dma_wait3A_63 = arith.constant 0 : i32
      %dma_wait3A_64 = tpu.memref_slice %arg8[%dma_wait3A, %dma_wait3A_62, %dma_wait3A_63] : memref<2x2x80xi32, #tpu.memory_space<vmem>> -> memref<1x1x80xi32, #tpu.memory_space<vmem>>
      %dma_wait3A_65 = tpu.memref_squeeze %dma_wait3A_64 : memref<1x1x80xi32, #tpu.memory_space<vmem>> -> memref<80xi32, #tpu.memory_space<vmem>>
      %dma_wait3A_66 = arith.constant 0 : i32
      %dma_wait3A_67 = arith.constant 0 : i32
      %dma_wait3A_68 = tpu.memref_slice %arg2[%dma_wait3A_66, %dma_wait3A_67] : memref<10240x144xf32, #tpu.memory_space<hbm>> -> memref<10240x144xf32, #tpu.memory_space<hbm>>
      tpu.wait_indirect_dma semaphore(%arg14 : memref<!tpu.dma_semaphore, #tpu.memory_space<semaphore_mem>>) src(%dma_wait3A_68 : memref<10240x144xf32, #tpu.memory_space<hbm>>) dst(%arg9 : memref<80x144xf32, #tpu.memory_space<vmem>>)
      %dma_start3A_69 = arith.constant 0 : i32
      %dma_start3A_70 = arith.constant 1 : i32
      %dma_start3A_71 = arith.constant 0 : i32
      %dma_start3A_72 = tpu.memref_slice %arg8[%dma_start3A_69, %dma_start3A_70, %dma_start3A_71] : memref<2x2x80xi32, #tpu.memory_space<vmem>> -> memref<1x1x80xi32, #tpu.memory_space<vmem>>
      %dma_start3A_73 = tpu.memref_squeeze %dma_start3A_72 : memref<1x1x80xi32, #tpu.memory_space<vmem>> -> memref<80xi32, #tpu.memory_space<vmem>>
      %dma_start3A_74 = arith.constant 0 : i32
      %dma_start3A_75 = arith.constant 0 : i32
      %dma_start3A_76 = tpu.memref_slice %arg12[%dma_start3A_74, %dma_start3A_75] : memref<10240x144xf32, #tpu.memory_space<vmem_shared>> -> memref<10240x144xf32, #tpu.memory_space<vmem_shared>>
      tpu.enqueue_indirect_dma source(%arg9 : memref<80x144xf32, #tpu.memory_space<vmem>>) target(%dma_start3A_76 : memref<10240x144xf32, #tpu.memory_space<vmem_shared>>) offsets(%dma_start3A_73 : memref<80xi32, #tpu.memory_space<vmem>>) semaphore(%arg16 : memref<!tpu.dma_semaphore, #tpu.memory_space<semaphore_mem>>) {add = true}
      %dma_wait3A_77 = arith.constant 1 : i32
      %dma_wait3A_78 = arith.constant 0 : i32
      %dma_wait3A_79 = arith.constant 0 : i32
      %dma_wait3A_80 = tpu.memref_slice %arg8[%dma_wait3A_77, %dma_wait3A_78, %dma_wait3A_79] : memref<2x2x80xi32, #tpu.memory_space<vmem>> -> memref<1x1x80xi32, #tpu.memory_space<vmem>>
      %dma_wait3A_81 = tpu.memref_squeeze %dma_wait3A_80 : memref<1x1x80xi32, #tpu.memory_space<vmem>> -> memref<80xi32, #tpu.memory_space<vmem>>
      %dma_wait3A_82 = arith.constant 0 : i32
      %dma_wait3A_83 = arith.constant 0 : i32
      %dma_wait3A_84 = tpu.memref_slice %arg2[%dma_wait3A_82, %dma_wait3A_83] : memref<10240x144xf32, #tpu.memory_space<hbm>> -> memref<10240x144xf32, #tpu.memory_space<hbm>>
      tpu.wait_indirect_dma semaphore(%arg15 : memref<!tpu.dma_semaphore, #tpu.memory_space<semaphore_mem>>) src(%dma_wait3A_84 : memref<10240x144xf32, #tpu.memory_space<hbm>>) dst(%arg10 : memref<80x144xf32, #tpu.memory_space<vmem>>)
      %dma_start3A_85 = arith.constant 1 : i32
      %dma_start3A_86 = arith.constant 1 : i32
      %dma_start3A_87 = arith.constant 0 : i32
      %dma_start3A_88 = tpu.memref_slice %arg8[%dma_start3A_85, %dma_start3A_86, %dma_start3A_87] : memref<2x2x80xi32, #tpu.memory_space<vmem>> -> memref<1x1x80xi32, #tpu.memory_space<vmem>>
      %dma_start3A_89 = tpu.memref_squeeze %dma_start3A_88 : memref<1x1x80xi32, #tpu.memory_space<vmem>> -> memref<80xi32, #tpu.memory_space<vmem>>
      %dma_start3A_90 = arith.constant 0 : i32
      %dma_start3A_91 = arith.constant 0 : i32
      %dma_start3A_92 = tpu.memref_slice %arg12[%dma_start3A_90, %dma_start3A_91] : memref<10240x144xf32, #tpu.memory_space<vmem_shared>> -> memref<10240x144xf32, #tpu.memory_space<vmem_shared>>
      tpu.enqueue_indirect_dma source(%arg10 : memref<80x144xf32, #tpu.memory_space<vmem>>) target(%dma_start3A_92 : memref<10240x144xf32, #tpu.memory_space<vmem_shared>>) offsets(%dma_start3A_89 : memref<80xi32, #tpu.memory_space<vmem>>) semaphore(%arg17 : memref<!tpu.dma_semaphore, #tpu.memory_space<semaphore_mem>>) {add = true}
      %run_scoped3A = arith.constant 0 : i32
      %run_scoped3A_93 = arith.constant 0 : i32
      "tpu.region"() ({
        %run_scoped3A_113 = tpu.sem_alloc : memref<!tpu.dma_semaphore, #tpu.memory_space<semaphore_mem>>
        %dma_start3A_114 = arith.constant 0 : i32
        %dma_start3A_115 = arith.constant 0 : i32
        %dma_start3A_116 = tpu.memref_slice %arg11[%dma_start3A_114, %dma_start3A_115] : memref<160x16xf32, #tpu.memory_space<vmem>> -> memref<80x16xf32, #tpu.memory_space<vmem>>
        %dma_start3A_117 = arith.constant 0 : i32
        %dma_start3A_118 = tpu.memref_slice %arg8[%run_scoped3A, %run_scoped3A_93, %dma_start3A_117] : memref<2x2x80xi32, #tpu.memory_space<vmem>> -> memref<1x1x80xi32, #tpu.memory_space<vmem>>
        %dma_start3A_119 = tpu.memref_squeeze %dma_start3A_118 : memref<1x1x80xi32, #tpu.memory_space<vmem>> -> memref<80xi32, #tpu.memory_space<vmem>>
        %dma_start3A_120 = arith.constant 0 : i32
        %dma_start3A_121 = arith.constant 0 : i32
        %dma_start3A_122 = tpu.memref_slice %arg13[%dma_start3A_120, %dma_start3A_121] : memref<10240x16xf32, #tpu.memory_space<vmem_shared>> -> memref<10240x16xf32, #tpu.memory_space<vmem_shared>>
        tpu.enqueue_indirect_dma source(%dma_start3A_116 : memref<80x16xf32, #tpu.memory_space<vmem>>) target(%dma_start3A_122 : memref<10240x16xf32, #tpu.memory_space<vmem_shared>>) offsets(%dma_start3A_119 : memref<80xi32, #tpu.memory_space<vmem>>) semaphore(%run_scoped3A_113 : memref<!tpu.dma_semaphore, #tpu.memory_space<semaphore_mem>>) {add = true}
        %dma_wait3A_123 = arith.constant 0 : i32
        %dma_wait3A_124 = arith.constant 0 : i32
        %dma_wait3A_125 = tpu.memref_slice %arg11[%dma_wait3A_123, %dma_wait3A_124] : memref<160x16xf32, #tpu.memory_space<vmem>> -> memref<80x16xf32, #tpu.memory_space<vmem>>
        %dma_wait3A_126 = arith.constant 0 : i32
        %dma_wait3A_127 = tpu.memref_slice %arg8[%run_scoped3A, %run_scoped3A_93, %dma_wait3A_126] : memref<2x2x80xi32, #tpu.memory_space<vmem>> -> memref<1x1x80xi32, #tpu.memory_space<vmem>>
        %dma_wait3A_128 = tpu.memref_squeeze %dma_wait3A_127 : memref<1x1x80xi32, #tpu.memory_space<vmem>> -> memref<80xi32, #tpu.memory_space<vmem>>
        %dma_wait3A_129 = arith.constant 0 : i32
        %dma_wait3A_130 = arith.constant 0 : i32
        %dma_wait3A_131 = tpu.memref_slice %arg13[%dma_wait3A_129, %dma_wait3A_130] : memref<10240x16xf32, #tpu.memory_space<vmem_shared>> -> memref<10240x16xf32, #tpu.memory_space<vmem_shared>>
        tpu.wait_indirect_dma semaphore(%run_scoped3A_113 : memref<!tpu.dma_semaphore, #tpu.memory_space<semaphore_mem>>) src(%dma_wait3A_125 : memref<80x16xf32, #tpu.memory_space<vmem>>) dst(%dma_wait3A_131 : memref<10240x16xf32, #tpu.memory_space<vmem_shared>>)
        tpu.yield
      }) : () -> ()
      %run_scoped3A_94 = arith.constant 1 : i32
      %run_scoped3A_95 = arith.constant 0 : i32
      "tpu.region"() ({
        %run_scoped3A_113 = tpu.sem_alloc : memref<!tpu.dma_semaphore, #tpu.memory_space<semaphore_mem>>
        %dma_start3A_114 = arith.constant 80 : i32
        %dma_start3A_115 = arith.constant 0 : i32
        %dma_start3A_116 = tpu.memref_slice %arg11[%dma_start3A_114, %dma_start3A_115] : memref<160x16xf32, #tpu.memory_space<vmem>> -> memref<80x16xf32, #tpu.memory_space<vmem>>
        %dma_start3A_117 = arith.constant 0 : i32
        %dma_start3A_118 = tpu.memref_slice %arg8[%run_scoped3A_94, %run_scoped3A_95, %dma_start3A_117] : memref<2x2x80xi32, #tpu.memory_space<vmem>> -> memref<1x1x80xi32, #tpu.memory_space<vmem>>
        %dma_start3A_119 = tpu.memref_squeeze %dma_start3A_118 : memref<1x1x80xi32, #tpu.memory_space<vmem>> -> memref<80xi32, #tpu.memory_space<vmem>>
        %dma_start3A_120 = arith.constant 0 : i32
        %dma_start3A_121 = arith.constant 0 : i32
        %dma_start3A_122 = tpu.memref_slice %arg13[%dma_start3A_120, %dma_start3A_121] : memref<10240x16xf32, #tpu.memory_space<vmem_shared>> -> memref<10240x16xf32, #tpu.memory_space<vmem_shared>>
        tpu.enqueue_indirect_dma source(%dma_start3A_116 : memref<80x16xf32, #tpu.memory_space<vmem>>) target(%dma_start3A_122 : memref<10240x16xf32, #tpu.memory_space<vmem_shared>>) offsets(%dma_start3A_119 : memref<80xi32, #tpu.memory_space<vmem>>) semaphore(%run_scoped3A_113 : memref<!tpu.dma_semaphore, #tpu.memory_space<semaphore_mem>>) {add = true}
        %dma_wait3A_123 = arith.constant 80 : i32
        %dma_wait3A_124 = arith.constant 0 : i32
        %dma_wait3A_125 = tpu.memref_slice %arg11[%dma_wait3A_123, %dma_wait3A_124] : memref<160x16xf32, #tpu.memory_space<vmem>> -> memref<80x16xf32, #tpu.memory_space<vmem>>
        %dma_wait3A_126 = arith.constant 0 : i32
        %dma_wait3A_127 = tpu.memref_slice %arg8[%run_scoped3A_94, %run_scoped3A_95, %dma_wait3A_126] : memref<2x2x80xi32, #tpu.memory_space<vmem>> -> memref<1x1x80xi32, #tpu.memory_space<vmem>>
        %dma_wait3A_128 = tpu.memref_squeeze %dma_wait3A_127 : memref<1x1x80xi32, #tpu.memory_space<vmem>> -> memref<80xi32, #tpu.memory_space<vmem>>
        %dma_wait3A_129 = arith.constant 0 : i32
        %dma_wait3A_130 = arith.constant 0 : i32
        %dma_wait3A_131 = tpu.memref_slice %arg13[%dma_wait3A_129, %dma_wait3A_130] : memref<10240x16xf32, #tpu.memory_space<vmem_shared>> -> memref<10240x16xf32, #tpu.memory_space<vmem_shared>>
        tpu.wait_indirect_dma semaphore(%run_scoped3A_113 : memref<!tpu.dma_semaphore, #tpu.memory_space<semaphore_mem>>) src(%dma_wait3A_125 : memref<80x16xf32, #tpu.memory_space<vmem>>) dst(%dma_wait3A_131 : memref<10240x16xf32, #tpu.memory_space<vmem_shared>>)
        tpu.yield
      }) : () -> ()
      %dma_wait3A_96 = arith.constant 0 : i32
      %dma_wait3A_97 = arith.constant 1 : i32
      %dma_wait3A_98 = arith.constant 0 : i32
      %dma_wait3A_99 = tpu.memref_slice %arg8[%dma_wait3A_96, %dma_wait3A_97, %dma_wait3A_98] : memref<2x2x80xi32, #tpu.memory_space<vmem>> -> memref<1x1x80xi32, #tpu.memory_space<vmem>>
      %dma_wait3A_100 = tpu.memref_squeeze %dma_wait3A_99 : memref<1x1x80xi32, #tpu.memory_space<vmem>> -> memref<80xi32, #tpu.memory_space<vmem>>
      %dma_wait3A_101 = arith.constant 0 : i32
      %dma_wait3A_102 = arith.constant 0 : i32
      %dma_wait3A_103 = tpu.memref_slice %arg12[%dma_wait3A_101, %dma_wait3A_102] : memref<10240x144xf32, #tpu.memory_space<vmem_shared>> -> memref<10240x144xf32, #tpu.memory_space<vmem_shared>>
      tpu.wait_indirect_dma semaphore(%arg16 : memref<!tpu.dma_semaphore, #tpu.memory_space<semaphore_mem>>) src(%arg9 : memref<80x144xf32, #tpu.memory_space<vmem>>) dst(%dma_wait3A_103 : memref<10240x144xf32, #tpu.memory_space<vmem_shared>>)
      %dma_wait3A_104 = arith.constant 1 : i32
      %dma_wait3A_105 = arith.constant 1 : i32
      %dma_wait3A_106 = arith.constant 0 : i32
      %dma_wait3A_107 = tpu.memref_slice %arg8[%dma_wait3A_104, %dma_wait3A_105, %dma_wait3A_106] : memref<2x2x80xi32, #tpu.memory_space<vmem>> -> memref<1x1x80xi32, #tpu.memory_space<vmem>>
      %dma_wait3A_108 = tpu.memref_squeeze %dma_wait3A_107 : memref<1x1x80xi32, #tpu.memory_space<vmem>> -> memref<80xi32, #tpu.memory_space<vmem>>
      %dma_wait3A_109 = arith.constant 0 : i32
      %dma_wait3A_110 = arith.constant 0 : i32
      %dma_wait3A_111 = tpu.memref_slice %arg12[%dma_wait3A_109, %dma_wait3A_110] : memref<10240x144xf32, #tpu.memory_space<vmem_shared>> -> memref<10240x144xf32, #tpu.memory_space<vmem_shared>>
      tpu.wait_indirect_dma semaphore(%arg17 : memref<!tpu.dma_semaphore, #tpu.memory_space<semaphore_mem>>) src(%arg10 : memref<80x144xf32, #tpu.memory_space<vmem>>) dst(%dma_wait3A_111 : memref<10240x144xf32, #tpu.memory_space<vmem_shared>>)
      %scan3A_112 = arith.constant 0 : i32
      scf.yield %scan3A_112 : i32
    }
    %scan3A_40 = arith.constant 64 : i32
    %barrier3A_41 = arith.constant 0 : index
    tpu.barrier barrier_id(%barrier3A_41)
    %mul3A_42 = arith.constant 10240 : i32
    %mul3A_43 = arith.muli %arg0, %mul3A_42 : i32
    %add3A_44 = arith.addi %mul3A_43, %mul3A_9 : i32
    "tpu.region"() ({
      %run_scoped3A = tpu.sem_alloc : memref<!tpu.dma_semaphore, #tpu.memory_space<semaphore_mem>>
      %dma_start3A = arith.constant 0 : i32
      %dma_start3A_45 = tpu.memref_slice %arg5[%add3A_44, %dma_start3A] : memref<20480x128xf32, #tpu.memory_space<hbm>> -> memref<640x128xf32, #tpu.memory_space<hbm>>
      %dma_start3A_46 = arith.constant 0 : i32
      %dma_start3A_47 = tpu.memref_slice %arg12[%mul3A_9, %dma_start3A_46] : memref<10240x144xf32, #tpu.memory_space<vmem_shared>> -> memref<640x128xf32, #tpu.memory_space<vmem_shared>>
      tpu.enqueue_dma source(%dma_start3A_47 : memref<640x128xf32, #tpu.memory_space<vmem_shared>>) target(%dma_start3A_45 : memref<640x128xf32, #tpu.memory_space<hbm>>) target_semaphore(%run_scoped3A : memref<!tpu.dma_semaphore, #tpu.memory_space<semaphore_mem>>)
      %dma_wait3A = arith.constant 0 : i32
      %dma_wait3A_48 = tpu.memref_slice %arg5[%add3A_44, %dma_wait3A] : memref<20480x128xf32, #tpu.memory_space<hbm>> -> memref<640x128xf32, #tpu.memory_space<hbm>>
      %dma_wait3A_49 = arith.constant 0 : i32
      %dma_wait3A_50 = tpu.memref_slice %arg12[%mul3A_9, %dma_wait3A_49] : memref<10240x144xf32, #tpu.memory_space<vmem_shared>> -> memref<640x128xf32, #tpu.memory_space<vmem_shared>>
      tpu.wait_dma2 semaphore(%run_scoped3A : memref<!tpu.dma_semaphore, #tpu.memory_space<semaphore_mem>>) src(%dma_wait3A_50 : memref<640x128xf32, #tpu.memory_space<vmem_shared>>) dst(%dma_wait3A_48 : memref<640x128xf32, #tpu.memory_space<hbm>>)
      tpu.yield
    }) : () -> ()
    "tpu.region"() ({
      %run_scoped3A = tpu.sem_alloc : memref<!tpu.dma_semaphore, #tpu.memory_space<semaphore_mem>>
      %dma_start3A = arith.constant 0 : i32
      %dma_start3A_45 = tpu.memref_slice %arg6[%add3A_44, %dma_start3A] : memref<20480x16xf32, #tpu.memory_space<hbm>> -> memref<640x16xf32, #tpu.memory_space<hbm>>
      %dma_start3A_46 = arith.constant 128 : i32
      %dma_start3A_47 = tpu.memref_slice %arg12[%mul3A_9, %dma_start3A_46] : memref<10240x144xf32, #tpu.memory_space<vmem_shared>> -> memref<640x16xf32, #tpu.memory_space<vmem_shared>>
      tpu.enqueue_dma source(%dma_start3A_47 : memref<640x16xf32, #tpu.memory_space<vmem_shared>>) target(%dma_start3A_45 : memref<640x16xf32, #tpu.memory_space<hbm>>) target_semaphore(%run_scoped3A : memref<!tpu.dma_semaphore, #tpu.memory_space<semaphore_mem>>)
      %dma_wait3A = arith.constant 0 : i32
      %dma_wait3A_48 = tpu.memref_slice %arg6[%add3A_44, %dma_wait3A] : memref<20480x16xf32, #tpu.memory_space<hbm>> -> memref<640x16xf32, #tpu.memory_space<hbm>>
      %dma_wait3A_49 = arith.constant 128 : i32
      %dma_wait3A_50 = tpu.memref_slice %arg12[%mul3A_9, %dma_wait3A_49] : memref<10240x144xf32, #tpu.memory_space<vmem_shared>> -> memref<640x16xf32, #tpu.memory_space<vmem_shared>>
      tpu.wait_dma2 semaphore(%run_scoped3A : memref<!tpu.dma_semaphore, #tpu.memory_space<semaphore_mem>>) src(%dma_wait3A_50 : memref<640x16xf32, #tpu.memory_space<vmem_shared>>) dst(%dma_wait3A_48 : memref<640x16xf32, #tpu.memory_space<hbm>>)
      tpu.yield
    }) : () -> ()
    "tpu.region"() ({
      %run_scoped3A = tpu.sem_alloc : memref<!tpu.dma_semaphore, #tpu.memory_space<semaphore_mem>>
      %dma_start3A = arith.constant 0 : i32
      %dma_start3A_45 = tpu.memref_slice %arg7[%add3A_44, %dma_start3A] : memref<20480x16xf32, #tpu.memory_space<hbm>> -> memref<640x16xf32, #tpu.memory_space<hbm>>
      %dma_start3A_46 = arith.constant 0 : i32
      %dma_start3A_47 = tpu.memref_slice %arg13[%mul3A_9, %dma_start3A_46] : memref<10240x16xf32, #tpu.memory_space<vmem_shared>> -> memref<640x16xf32, #tpu.memory_space<vmem_shared>>
      tpu.enqueue_dma source(%dma_start3A_47 : memref<640x16xf32, #tpu.memory_space<vmem_shared>>) target(%dma_start3A_45 : memref<640x16xf32, #tpu.memory_space<hbm>>) target_semaphore(%run_scoped3A : memref<!tpu.dma_semaphore, #tpu.memory_space<semaphore_mem>>)
      %dma_wait3A = arith.constant 0 : i32
      %dma_wait3A_48 = tpu.memref_slice %arg7[%add3A_44, %dma_wait3A] : memref<20480x16xf32, #tpu.memory_space<hbm>> -> memref<640x16xf32, #tpu.memory_space<hbm>>
      %dma_wait3A_49 = arith.constant 0 : i32
      %dma_wait3A_50 = tpu.memref_slice %arg13[%mul3A_9, %dma_wait3A_49] : memref<10240x16xf32, #tpu.memory_space<vmem_shared>> -> memref<640x16xf32, #tpu.memory_space<vmem_shared>>
      tpu.wait_dma2 semaphore(%run_scoped3A : memref<!tpu.dma_semaphore, #tpu.memory_space<semaphore_mem>>) src(%dma_wait3A_50 : memref<640x16xf32, #tpu.memory_space<vmem_shared>>) dst(%dma_wait3A_48 : memref<640x16xf32, #tpu.memory_space<hbm>>)
      tpu.yield
    }) : () -> ()
    return
  }
}

module attributes {stable_mosaic.version = 14 : i64} {
  func.func @_tc_finish_kernel(%arg0: i32, %arg1: memref<1000x128xf32, #tpu.memory_space<vmem>>, %arg2: memref<2x1000x128xf32, #tpu.memory_space<vmem>>, %arg3: memref<2x1000x16xf32, #tpu.memory_space<vmem>>, %arg4: memref<2x1000x16xf32, #tpu.memory_space<vmem>>, %arg5: memref<128x64xf32, #tpu.memory_space<vmem>>, %arg6: memref<128x64xf32, #tpu.memory_space<vmem>>, %arg7: memref<1x64xf32, #tpu.memory_space<vmem>>, %arg8: memref<1000x64xf32, #tpu.memory_space<vmem>>, %arg9: memref<1x1xf32, #tpu.memory_space<vmem>>, %arg10: memref<2x128xf32, #tpu.memory_space<vmem>>, %arg11: memref<1xf32, #tpu.memory_space<smem>>) attributes {dimension_semantics = [#tpu.dimension_semantics<arbitrary>], iteration_bounds = array<i64: 10>, scalar_prefetch = 0 : i64, scratch_operands = 2 : i64, tpu.core_type = #tpu.core_type<tc>, window_params = [{transform_indices = @transform_0, window_bounds = array<i64: 1000, 128>}, {transform_indices = @transform_1, window_bounds = array<i64: 2, 1000, 128>}, {transform_indices = @transform_2, window_bounds = array<i64: 2, 1000, 16>}, {transform_indices = @transform_3, window_bounds = array<i64: 2, 1000, 16>}, {pipeline_mode = #tpu.pipeline_mode<synchronous>, transform_indices = @transform_4, window_bounds = array<i64: 128, 64>}, {pipeline_mode = #tpu.pipeline_mode<synchronous>, transform_indices = @transform_5, window_bounds = array<i64: 128, 64>}, {pipeline_mode = #tpu.pipeline_mode<synchronous>, transform_indices = @transform_6, window_bounds = array<i64: 1, 64>}, {transform_indices = @transform_7, window_bounds = array<i64: 1000, 64>}, {pipeline_mode = #tpu.pipeline_mode<synchronous>, transform_indices = @transform_8, window_bounds = array<i64: 1, 1>}]} {
    %eq3A = arith.constant 0 : i32
    %eq3A_0 = arith.cmpi eq, %arg0, %eq3A : i32
    %convert_element_type3A = arith.extui %eq3A_0 : i1 to i32
    %cond3A = arith.constant 0 : i32
    %cond3A_1 = arith.cmpi ne, %convert_element_type3A, %cond3A : i32
    scf.if %cond3A_1 {
      %broadcast_in_dim3A_106 = arith.constant 0.000000e+00 : f32
      %broadcast_in_dim3A_107 = vector.broadcast %broadcast_in_dim3A_106 : f32 to vector<2x128xf32>
      %swap3A_108 = arith.constant 0 : index
      %swap3A_109 = arith.constant 0 : index
      %swap3A_110 = vector.load %arg10[%swap3A_108, %swap3A_109] : memref<2x128xf32, #tpu.memory_space<vmem>>, vector<2x128xf32>
      tpu.vector_store %arg10[%swap3A_108, %swap3A_109], %broadcast_in_dim3A_107 {strides = array<i32>} : memref<2x128xf32, #tpu.memory_space<vmem>>, vector<2x128xf32>,
      %swap3A_111 = arith.constant 0.000000e+00 : f32
      %swap3A_112 = arith.constant 0 : index
      %swap3A_113 = memref.load %arg11[%swap3A_112] : memref<1xf32, #tpu.memory_space<smem>>
      memref.store %swap3A_111, %arg11[%swap3A_112] : memref<1xf32, #tpu.memory_space<smem>>
    } else {
    }
    %get3A = arith.constant 0 : index
    %get3A_2 = arith.constant 0 : index
    %get3A_3 = vector.load %arg1[%get3A, %get3A_2] : memref<1000x128xf32, #tpu.memory_space<vmem>>, vector<1000x128xf32>
    %get3A_4 = arith.constant 0 : index
    %get3A_5 = arith.constant 0 : index
    %get3A_6 = arith.constant 0 : index
    %get3A_7 = vector.load %arg2[%get3A_4, %get3A_5, %get3A_6] : memref<2x1000x128xf32, #tpu.memory_space<vmem>>, vector<1x1000x128xf32>
    %get3A_8 = vector.shape_cast %get3A_7 : vector<1x1000x128xf32> to vector<1000x128xf32>
    %get3A_9 = arith.constant 1 : index
    %get3A_10 = arith.constant 0 : index
    %get3A_11 = arith.constant 0 : index
    %get3A_12 = vector.load %arg2[%get3A_9, %get3A_10, %get3A_11] : memref<2x1000x128xf32, #tpu.memory_space<vmem>>, vector<1x1000x128xf32>
    %get3A_13 = vector.shape_cast %get3A_12 : vector<1x1000x128xf32> to vector<1000x128xf32>
    %add3A = arith.addf %get3A_8, %get3A_13 : vector<1000x128xf32>
    %get3A_14 = arith.constant 0 : index
    %get3A_15 = arith.constant 0 : index
    %get3A_16 = arith.constant 0 : index
    %get3A_17 = vector.load %arg3[%get3A_14, %get3A_15, %get3A_16] : memref<2x1000x16xf32, #tpu.memory_space<vmem>>, vector<1x1000x16xf32>
    %get3A_18 = vector.shape_cast %get3A_17 : vector<1x1000x16xf32> to vector<1000x16xf32>
    %get3A_19 = arith.constant 1 : index
    %get3A_20 = arith.constant 0 : index
    %get3A_21 = arith.constant 0 : index
    %get3A_22 = vector.load %arg3[%get3A_19, %get3A_20, %get3A_21] : memref<2x1000x16xf32, #tpu.memory_space<vmem>>, vector<1x1000x16xf32>
    %get3A_23 = vector.shape_cast %get3A_22 : vector<1x1000x16xf32> to vector<1000x16xf32>
    %add3A_24 = arith.addf %get3A_18, %get3A_23 : vector<1000x16xf32>
    %slice3A = vector.extract_strided_slice %add3A_24 {offsets = [0, 0], sizes = [1000, 1], strides = [1, 1]} : vector<1000x16xf32> to vector<1000x1xf32>
    %squeeze3A = vector.shape_cast %slice3A : vector<1000x1xf32> to vector<1000xf32>
    %max3A = arith.constant 1.000000e+00 : f32
    %max3A_25 = vector.broadcast %max3A : f32 to vector<1000xf32>
    %max3A_26 = arith.maximumf %squeeze3A, %max3A_25 : vector<1000xf32>
    %broadcast_in_dim3A = vector.shape_cast %max3A_26 : vector<1000xf32> to vector<1000x1xf32>
    %div3A = vector.broadcast %broadcast_in_dim3A : vector<1000x1xf32> to vector<1000x128xf32>
    %div3A_27 = arith.divf %add3A, %div3A : vector<1000x128xf32>
    %get3A_28 = arith.constant 0 : index
    %get3A_29 = arith.constant 0 : index
    %get3A_30 = vector.load %arg5[%get3A_28, %get3A_29] : memref<128x64xf32, #tpu.memory_space<vmem>>, vector<128x64xf32>
    %dot_general3A = arith.constant dense<0.000000e+00> : vector<1000x64xf32>
    %dot_general3A_31 = tpu.matmul %get3A_3, %get3A_30, %dot_general3A {dimension_numbers = #tpu.dot_dimension_numbers<[1], [0], [0], [1], [0, 0, 1, 1], [], []>, transpose_lhs_hint = false} : vector<1000x128xf32>, vector<128x64xf32>, vector<1000x64xf32> -> vector<1000x64xf32>
    %get3A_32 = arith.constant 0 : index
    %get3A_33 = arith.constant 0 : index
    %get3A_34 = vector.load %arg6[%get3A_32, %get3A_33] : memref<128x64xf32, #tpu.memory_space<vmem>>, vector<128x64xf32>
    %dot_general3A_35 = arith.constant dense<0.000000e+00> : vector<1000x64xf32>
    %dot_general3A_36 = tpu.matmul %div3A_27, %get3A_34, %dot_general3A_35 {dimension_numbers = #tpu.dot_dimension_numbers<[1], [0], [0], [1], [0, 0, 1, 1], [], []>, transpose_lhs_hint = false} : vector<1000x128xf32>, vector<128x64xf32>, vector<1000x64xf32> -> vector<1000x64xf32>
    %add3A_37 = arith.addf %dot_general3A_31, %dot_general3A_36 : vector<1000x64xf32>
    %get3A_38 = arith.constant 0 : index
    %get3A_39 = arith.constant 0 : index
    %get3A_40 = vector.load %arg7[%get3A_38, %get3A_39] : memref<1x64xf32, #tpu.memory_space<vmem>>, vector<1x64xf32>
    %add3A_41 = vector.broadcast %get3A_40 : vector<1x64xf32> to vector<1000x64xf32>
    %add3A_42 = arith.addf %add3A_37, %add3A_41 : vector<1000x64xf32>
    %swap3A = arith.constant 0 : index
    %swap3A_43 = arith.constant 0 : index
    %swap3A_44 = vector.load %arg8[%swap3A, %swap3A_43] : memref<1000x64xf32, #tpu.memory_space<vmem>>, vector<1000x64xf32>
    tpu.vector_store %arg8[%swap3A, %swap3A_43], %add3A_42 {strides = array<i32>} : memref<1000x64xf32, #tpu.memory_space<vmem>>, vector<1000x64xf32>,
    %get3A_45 = arith.constant 0 : index
    %get3A_46 = arith.constant 0 : index
    %get3A_47 = arith.constant 0 : index
    %get3A_48 = vector.load %arg4[%get3A_45, %get3A_46, %get3A_47] : memref<2x1000x16xf32, #tpu.memory_space<vmem>>, vector<1x1000x16xf32>
    %get3A_49 = vector.shape_cast %get3A_48 : vector<1x1000x16xf32> to vector<1000x16xf32>
    %get3A_50 = arith.constant 1 : index
    %get3A_51 = arith.constant 0 : index
    %get3A_52 = arith.constant 0 : index
    %get3A_53 = vector.load %arg4[%get3A_50, %get3A_51, %get3A_52] : memref<2x1000x16xf32, #tpu.memory_space<vmem>>, vector<1x1000x16xf32>
    %get3A_54 = vector.shape_cast %get3A_53 : vector<1x1000x16xf32> to vector<1000x16xf32>
    %add3A_55 = arith.addf %get3A_49, %get3A_54 : vector<1000x16xf32>
    %slice3A_56 = vector.extract_strided_slice %add3A_55 {offsets = [0, 0], sizes = [1000, 1], strides = [1, 1]} : vector<1000x16xf32> to vector<1000x1xf32>
    %squeeze3A_57 = vector.shape_cast %slice3A_56 : vector<1000x1xf32> to vector<1000xf32>
    %mul3A = arith.constant 9.99999974E-5 : f32
    %mul3A_58 = vector.broadcast %mul3A : f32 to vector<1000xf32>
    %mul3A_59 = arith.mulf %squeeze3A_57, %mul3A_58 : vector<1000xf32>
    %get3A_60 = arith.constant 0 : index
    %get3A_61 = arith.constant 0 : index
    %get3A_62 = vector.load %arg10[%get3A_60, %get3A_61] : memref<2x128xf32, #tpu.memory_space<vmem>>, vector<1x128xf32>
    %get3A_63 = vector.shape_cast %get3A_62 : vector<1x128xf32> to vector<128xf32>
    %reduce_sum3A = arith.constant dense<0.000000e+00> : vector<128xf32>
    %reduce_sum3A_64 = vector.multi_reduction <add>, %div3A_27, %reduce_sum3A [0] : vector<1000x128xf32> to vector<128xf32>
    %add3A_65 = arith.addf %get3A_63, %reduce_sum3A_64 : vector<128xf32>
    %swap3A_66 = arith.constant 0 : index
    %swap3A_67 = arith.constant 0 : index
    %swap3A_68 = vector.load %arg10[%swap3A_66, %swap3A_67] : memref<2x128xf32, #tpu.memory_space<vmem>>, vector<1x128xf32>
    %swap3A_69 = vector.shape_cast %swap3A_68 : vector<1x128xf32> to vector<128xf32>
    %swap3A_70 = vector.shape_cast %add3A_65 : vector<128xf32> to vector<1x128xf32>
    tpu.vector_store %arg10[%swap3A_66, %swap3A_67], %swap3A_70 {strides = array<i32>} : memref<2x128xf32, #tpu.memory_space<vmem>>, vector<1x128xf32>,
    %get3A_71 = arith.constant 1 : index
    %get3A_72 = arith.constant 0 : index
    %get3A_73 = vector.load %arg10[%get3A_71, %get3A_72] : memref<2x128xf32, #tpu.memory_space<vmem>>, vector<1x128xf32>
    %get3A_74 = vector.shape_cast %get3A_73 : vector<1x128xf32> to vector<128xf32>
    %broadcast_in_dim3A_75 = vector.shape_cast %mul3A_59 : vector<1000xf32> to vector<1000x1xf32>
    %mul3A_76 = vector.broadcast %broadcast_in_dim3A_75 : vector<1000x1xf32> to vector<1000x128xf32>
    %mul3A_77 = arith.mulf %mul3A_76, %get3A_3 : vector<1000x128xf32>
    %reduce_sum3A_78 = arith.constant dense<0.000000e+00> : vector<128xf32>
    %reduce_sum3A_79 = vector.multi_reduction <add>, %mul3A_77, %reduce_sum3A_78 [0] : vector<1000x128xf32> to vector<128xf32>
    %add3A_80 = arith.addf %get3A_74, %reduce_sum3A_79 : vector<128xf32>
    %swap3A_81 = arith.constant 1 : index
    %swap3A_82 = arith.constant 0 : index
    %swap3A_83 = vector.load %arg10[%swap3A_81, %swap3A_82] : memref<2x128xf32, #tpu.memory_space<vmem>>, vector<1x128xf32>
    %swap3A_84 = vector.shape_cast %swap3A_83 : vector<1x128xf32> to vector<128xf32>
    %swap3A_85 = vector.shape_cast %add3A_80 : vector<128xf32> to vector<1x128xf32>
    tpu.vector_store %arg10[%swap3A_81, %swap3A_82], %swap3A_85 {strides = array<i32>} : memref<2x128xf32, #tpu.memory_space<vmem>>, vector<1x128xf32>,
    %get3A_86 = arith.constant 0 : index
    %get3A_87 = memref.load %arg11[%get3A_86] : memref<1xf32, #tpu.memory_space<smem>>
    %mul3A_88 = arith.mulf %mul3A_59, %mul3A_59 : vector<1000xf32>
    %mul3A_89 = arith.mulf %get3A_3, %get3A_3 : vector<1000x128xf32>
    %reduce_sum3A_90 = arith.constant dense<0.000000e+00> : vector<1000xf32>
    %reduce_sum3A_91 = vector.multi_reduction <add>, %mul3A_89, %reduce_sum3A_90 [1] : vector<1000x128xf32> to vector<1000xf32>
    %mul3A_92 = arith.mulf %mul3A_88, %reduce_sum3A_91 : vector<1000xf32>
    %reduce_sum3A_93 = vector.shape_cast %mul3A_92 : vector<1000xf32> to vector<1x1000xf32>
    %reduce_sum3A_94 = arith.constant dense<0.000000e+00> : vector<1xf32>
    %reduce_sum3A_95 = vector.multi_reduction <add>, %reduce_sum3A_93, %reduce_sum3A_94 [1] : vector<1x1000xf32> to vector<1xf32>
    %reduce_sum3A_96 = vector.shape_cast %reduce_sum3A_95 : vector<1xf32> to vector<1x1xf32>
    %reduce_sum3A_97 = vector.extract %reduce_sum3A_96[0, 0] : f32 from vector<1x1xf32>
    %add3A_98 = arith.addf %get3A_87, %reduce_sum3A_97 : f32
    %swap3A_99 = arith.constant 0 : index
    %swap3A_100 = memref.load %arg11[%swap3A_99] : memref<1xf32, #tpu.memory_space<smem>>
    memref.store %add3A_98, %arg11[%swap3A_99] : memref<1xf32, #tpu.memory_space<smem>>
    %eq3A_101 = arith.constant 9 : i32
    %eq3A_102 = arith.cmpi eq, %arg0, %eq3A_101 : i32
    %convert_element_type3A_103 = arith.extui %eq3A_102 : i1 to i32
    %cond3A_104 = arith.constant 0 : i32
    %cond3A_105 = arith.cmpi ne, %convert_element_type3A_103, %cond3A_104 : i32
    scf.if %cond3A_105 {
      %get3A_106 = arith.constant 0 : index
      %get3A_107 = arith.constant 0 : index
      %get3A_108 = vector.load %arg10[%get3A_106, %get3A_107] : memref<2x128xf32, #tpu.memory_space<vmem>>, vector<1x128xf32>
      %get3A_109 = vector.shape_cast %get3A_108 : vector<1x128xf32> to vector<128xf32>
      %mul3A_110 = arith.constant 9.99999974E-5 : f32
      %mul3A_111 = vector.broadcast %mul3A_110 : f32 to vector<128xf32>
      %mul3A_112 = arith.mulf %get3A_109, %mul3A_111 : vector<128xf32>
      %get3A_113 = arith.constant 1 : index
      %get3A_114 = arith.constant 0 : index
      %get3A_115 = vector.load %arg10[%get3A_113, %get3A_114] : memref<2x128xf32, #tpu.memory_space<vmem>>, vector<1x128xf32>
      %get3A_116 = vector.shape_cast %get3A_115 : vector<1x128xf32> to vector<128xf32>
      %get3A_117 = arith.constant 0 : index
      %get3A_118 = memref.load %arg11[%get3A_117] : memref<1xf32, #tpu.memory_space<smem>>
      %mul3A_119 = arith.mulf %get3A_116, %mul3A_112 : vector<128xf32>
      %reduce_sum3A_120 = vector.shape_cast %mul3A_119 : vector<128xf32> to vector<1x128xf32>
      %reduce_sum3A_121 = arith.constant dense<0.000000e+00> : vector<1xf32>
      %reduce_sum3A_122 = vector.multi_reduction <add>, %reduce_sum3A_120, %reduce_sum3A_121 [1] : vector<1x128xf32> to vector<1xf32>
      %reduce_sum3A_123 = vector.shape_cast %reduce_sum3A_122 : vector<1xf32> to vector<1x1xf32>
      %reduce_sum3A_124 = vector.extract %reduce_sum3A_123[0, 0] : f32 from vector<1x1xf32>
      %mul3A_125 = arith.constant 2.000000e+00 : f32
      %mul3A_126 = arith.mulf %mul3A_125, %reduce_sum3A_124 : f32
      %sub3A = arith.subf %get3A_118, %mul3A_126 : f32
      %mul3A_127 = arith.mulf %mul3A_112, %mul3A_112 : vector<128xf32>
      %reduce_sum3A_128 = vector.shape_cast %mul3A_127 : vector<128xf32> to vector<1x128xf32>
      %reduce_sum3A_129 = arith.constant dense<0.000000e+00> : vector<1xf32>
      %reduce_sum3A_130 = vector.multi_reduction <add>, %reduce_sum3A_128, %reduce_sum3A_129 [1] : vector<1x128xf32> to vector<1xf32>
      %reduce_sum3A_131 = vector.shape_cast %reduce_sum3A_130 : vector<1xf32> to vector<1x1xf32>
      %reduce_sum3A_132 = vector.extract %reduce_sum3A_131[0, 0] : f32 from vector<1x1xf32>
      %mul3A_133 = arith.constant 1.000000e+04 : f32
      %mul3A_134 = arith.mulf %mul3A_133, %reduce_sum3A_132 : f32
      %add3A_135 = arith.addf %sub3A, %mul3A_134 : f32
      %div3A_136 = arith.constant 6.400000e+05 : f32
      %div3A_137 = arith.divf %add3A_135, %div3A_136 : f32
      %reshape3A = vector.broadcast %div3A_137 : f32 to vector<1x1xf32>
      %swap3A_138 = arith.constant 0 : index
      %swap3A_139 = arith.constant 0 : index
      %swap3A_140 = vector.load %arg9[%swap3A_138, %swap3A_139] : memref<1x1xf32, #tpu.memory_space<vmem>>, vector<1x1xf32>
      tpu.vector_store %arg9[%swap3A_138, %swap3A_139], %reshape3A {strides = array<i32>} : memref<1x1xf32, #tpu.memory_space<vmem>>, vector<1x1xf32>,
    } else {
    }
    return
  }
  func.func @transform_0(%arg0: i32) -> (i32, i32) {
    %c0_i32 = arith.constant 0 : i32
    %c0_i32_0 = arith.constant 0 : i32
    return %arg0, %c0_i32 : i32, i32
  }
  func.func @transform_1(%arg0: i32) -> (i32, i32, i32) {
    %c0_i32 = arith.constant 0 : i32
    %c0_i32_0 = arith.constant 0 : i32
    %c0_i32_1 = arith.constant 0 : i32
    return %c0_i32, %arg0, %c0_i32_0 : i32, i32, i32
  }
  func.func @transform_2(%arg0: i32) -> (i32, i32, i32) {
    %c0_i32 = arith.constant 0 : i32
    %c0_i32_0 = arith.constant 0 : i32
    %c0_i32_1 = arith.constant 0 : i32
    return %c0_i32, %arg0, %c0_i32_0 : i32, i32, i32
  }
  func.func @transform_3(%arg0: i32) -> (i32, i32, i32) {
    %c0_i32 = arith.constant 0 : i32
    %c0_i32_0 = arith.constant 0 : i32
    %c0_i32_1 = arith.constant 0 : i32
    return %c0_i32, %arg0, %c0_i32_0 : i32, i32, i32
  }
  func.func @transform_4(%arg0: i32) -> (i32, i32) {
    %c0_i32 = arith.constant 0 : i32
    %c0_i32_0 = arith.constant 0 : i32
    %c0_i32_1 = arith.constant 0 : i32
    return %c0_i32, %c0_i32_0 : i32, i32
  }
  func.func @transform_5(%arg0: i32) -> (i32, i32) {
    %c0_i32 = arith.constant 0 : i32
    %c0_i32_0 = arith.constant 0 : i32
    %c0_i32_1 = arith.constant 0 : i32
    return %c0_i32, %c0_i32_0 : i32, i32
  }
  func.func @transform_6(%arg0: i32) -> (i32, i32) {
    %c0_i32 = arith.constant 0 : i32
    %c0_i32_0 = arith.constant 0 : i32
    %c0_i32_1 = arith.constant 0 : i32
    return %c0_i32, %c0_i32_0 : i32, i32
  }
  func.func @transform_7(%arg0: i32) -> (i32, i32) {
    %c0_i32 = arith.constant 0 : i32
    %c0_i32_0 = arith.constant 0 : i32
    return %arg0, %c0_i32 : i32, i32
  }
  func.func @transform_8(%arg0: i32) -> (i32, i32) {
    %c0_i32 = arith.constant 0 : i32
    %c0_i32_0 = arith.constant 0 : i32
    %c0_i32_1 = arith.constant 0 : i32
    return %c0_i32, %c0_i32_0 : i32, i32
  }
}

</mosaic_0001>

<sc_bundles>
// kernel: kernel.4.cloned.1.call-start
scs
__scs_entry_jumppad:
0x0: {  	(pc) =	sbr.rel $0x88, $3  }
0x1: {  	(tag) =	ssettag $0x0;
	lr =	simm.s32 $0x1  }
0x2: {  	[smem:$0x3F9C] =	sst lr;
	_ =	strace $0xD0000000  }
0x3: {  	_ = 	snop  }
0x4: {  	_ = 	snop  }
0x5: {  	_ = 	snop  }
0x6: {  	_ = 	snop  }
0x7: {  	_ = 	snop  }
__scs_overlays_trampoline_lowered:
0x8: {  	[smem:$0x3FAB] =	sst s0  }
0x9: {  	[smem:$0x3FAC] =	sst s1  }
0xa: {  	[smem:$0x3FAD] =	sst s2  }
0xb: {  	[smem:$0x3FAE] =	sst s3  }
0xc: {  	[smem:$0x3FAF] =	sst s4  }
0xd: {  	[smem:$0x3FB0] =	sst s5  }
0xe: {  	[smem:$0x3FB1] =	sst s6  }
0xf: {  	[smem:$0x3FB2] =	sst s7  }
0x10: {  	[smem:$0x3FB3] =	sst s8  }
0x11: {  	[smem:$0x3FB4] =	sst s9;
	s0 =	simm.s32 @!p0 $0x0  }
0x12: {  	s1 =	sld [smem:$0x3F9A];
	s0 =	simm.s32 @p0 $0x1  }
0x13: {  	[smem:$0x3FB5] =	sst s0;
	s0 =	simm.s32 @!p1 $0x0  }
0x14: {  	s2 =	sld [smem:$0x3F99];
	s0 =	simm.s32 @p1 $0x1  }
0x15: {  	[smem:$0x3FB6] =	sst s0;
	s0 =	simm.s32 @!p2 $0x0  }
0x16: {  	s3 =	sld [smem:$0x3FDB];
	s0 =	simm.s32 @p2 $0x1  }
0x17: {  	s4 =	simm.s32 $0x1BF5;
	[smem:$0x3FB8] =	sst s0  }
0x18: {  	s0 =	sld [smem:$0x3F9B];
	_ =	swait.ge [sflag:s4], $0x0  }
0x19: {  	s7 =	sld [smem:$0x3F9C]  }
0x1a: {  	s8 =	sadd.s32 $0xFFFFE003, lr  }
0x1b: {  	s9 =	sadd.s32 $0xFFFFFEF7, lr;
	s5 =	simm.s32 $0xFFFFFFFF;
	p2 =	slt.u32 s8, $0xFFFFF086  }
0x1c: {  	p1 =	slt.u32 s9, $0xF7A;
	s5 =	simm.s32 @!p2 $0x0  }
0x1d: {  	s5 =	simm.s32 @p1 $0x1;
	p0 =	seq.s32 s7, s2  }
0x1e: {  	s7 =	smul.u32 @!p0 $0xF7A, s2;
	p2 =	seq.s32 @!p0 s5, $0x0  }
0x1f: {  	s9 =	smul.u32 $0xF7A, s1;
	s8 =	simm.s32 @!p0 $0x1BF5;
	p2 =	por !p2, p0  }
0x20: {  	[sflag:s8] =	ssyncset.s32 @!p0 $0xFFFFF086;
	s6 =	sadd.s32 @!p0 s3, s7;
	s7 =	simm.s32 @!p0 $0x108  }
0x21: {  	s3 =	sadd.s32 s3, s9;
	s6 =	sadd.s32 @!p0 $0x88, s6;
	s7 =	simm.s32 @p2 $0x1082  }
0x22: {  	[simem:s7], [sflag:s8] =	dma.local @!p0 [hbm:s6], $0xF7A  }
0x23: {  	s9 =	sor.u32 $0xD0000000, s2;
	s6 =	simm.s32 $0x108;
	_ =	swait.ge @!p0 [sflag:s8], $0x0  }
0x24: {  	s3 =	sadd.s32 $0x88, s3;
	s6 =	simm.s32 @!p1 $0x1082;
	[sflag:s4] =	ssyncset.s32 $0xFFFFF086  }
0x25: {  	[simem:s6], [sflag:s4] =	dma.local [hbm:s3], $0xF7A  }
0x26: {  	[smem:$0x3F9C] =	sst s1;
	(tag) =	ssettag s2;
	_ =	strace s9  }
0x27: {  	s1 =	sld [smem:$0x3FAC]  }
0x28: {  	s2 =	sld [smem:$0x3FAD]  }
0x29: {  	s4 =	sld [smem:$0x3FAF]  }
0x2a: {  	p0 =	seq.s32 s5, $0x0;
	s5 =	sld [smem:$0x3FB0]  }
0x2b: {  	s6 =	sld [smem:$0x3FB1]  }
0x2c: {  	s7 =	sld [smem:$0x3FB2]  }
0x2d: {  	s3 =	simm.s32 $0x108;
	s8 =	sld [smem:$0x3FB3]  }
0x2e: {  	s3 =	simm.s32 @!p0 $0x1082;
	s9 =	sld [smem:$0x3FB4]  }
0x2f: {  	lr =	sadd.s32 s0, s3;
	s0 =	sld [smem:$0x3FAB]  }
0x30: {  	s3 =	sld [smem:$0x3FAE]  }
0x31: {  	[smem:$0x3FB7] =	sst s10  }
0x32: {  	s10 =	sld [smem:$0x3FB5];
	_ =	sdelay $0x3  }
0x33: {  	p0 =	seq.s32 s10, $0x1;
	s10 =	sld [smem:$0x3FB7];
	_ =	sdelay $0x3  }
0x34: {  	[smem:$0x3FB7] =	sst s10  }
0x35: {  	s10 =	sld [smem:$0x3FB6];
	_ =	sdelay $0x3  }
0x36: {  	p1 =	seq.s32 s10, $0x1;
	s10 =	sld [smem:$0x3FB7];
	_ =	sdelay $0x3  }
0x37: {  	[smem:$0x3FB7] =	sst s10  }
0x38: {  	s10 =	sld [smem:$0x3FB8]  }
0x39: {  	_ = 	snop;
	(pc) =	sbr.ind lr, $3  }
0x3a: {  	_ = 	snop  }
0x3b: {  	_ = 	snop  }
0x3c: {  	p2 =	seq.s32 s10, $0x1;
	s10 =	sld [smem:$0x3FB7]  }
0x3d: {  	_ =	shalt  }
0x3e: {  	_ =	shalt  }
0x3f: {  	_ =	shalt  }
0x40: {  	_ =	shalt  }
0x41: {  	_ =	shalt  }
0x42: {  	_ =	shalt  }
0x43: {  	_ =	shalt  }
0x44: {  	_ =	shalt  }
0x45: {  	_ =	shalt  }
0x46: {  	_ =	shalt  }
0x47: {  	_ =	shalt  }
0x48: {  	_ =	shalt  }
0x49: {  	_ =	shalt  }
0x4a: {  	_ =	shalt  }
0x4b: {  	_ =	shalt  }
0x4c: {  	_ =	shalt  }
0x4d: {  	_ =	shalt  }
0x4e: {  	_ =	shalt  }
0x4f: {  	_ =	shalt  }
0x50: {  	_ =	shalt  }
0x51: {  	_ =	shalt  }
0x52: {  	_ =	shalt  }
0x53: {  	_ =	shalt  }
0x54: {  	_ =	shalt  }
0x55: {  	_ =	shalt  }
0x56: {  	_ =	shalt  }
0x57: {  	_ =	shalt  }
0x58: {  	_ =	shalt  }
0x59: {  	_ =	shalt  }
0x5a: {  	_ =	shalt  }
0x5b: {  	_ =	shalt  }
0x5c: {  	_ =	shalt  }
0x5d: {  	_ =	shalt  }
0x5e: {  	_ =	shalt  }
0x5f: {  	_ =	shalt  }
0x60: {  	_ =	shalt  }
0x61: {  	_ =	shalt  }
0x62: {  	_ =	shalt  }
0x63: {  	_ =	shalt  }
0x64: {  	_ =	shalt  }
0x65: {  	_ =	shalt  }
0x66: {  	_ =	shalt  }
0x67: {  	_ =	shalt  }
0x68: {  	_ =	shalt  }
0x69: {  	_ =	shalt  }
0x6a: {  	_ =	shalt  }
0x6b: {  	_ =	shalt  }
0x6c: {  	_ =	shalt  }
0x6d: {  	_ =	shalt  }
0x6e: {  	_ =	shalt  }
0x6f: {  	_ =	shalt  }
0x70: {  	_ =	shalt  }
0x71: {  	_ =	shalt  }
0x72: {  	_ =	shalt  }
0x73: {  	_ =	shalt  }
0x74: {  	_ =	shalt  }
0x75: {  	_ =	shalt  }
0x76: {  	_ =	shalt  }
0x77: {  	_ =	shalt  }
0x78: {  	_ =	shalt  }
0x79: {  	_ =	shalt  }
0x7a: {  	_ =	shalt  }
0x7b: {  	_ =	shalt  }
0x7c: {  	_ =	shalt  }
0x7d: {  	_ =	shalt  }
0x7e: {  	_ =	shalt  }
0x7f: {  	_ =	shalt  }
0x80: {  	_ =	shalt  }
0x81: {  	_ =	shalt  }
0x82: {  	_ =	shalt  }
0x83: {  	_ =	shalt  }
0x84: {  	_ =	shalt  }
0x85: {  	_ =	shalt  }
0x86: {  	_ =	shalt  }
0x87: {  	_ =	shalt  }
.Lfunc_end0:
.L_simem_size_0:
called_computation_lowered:
.L_overlay_start_0:
0x88: {  	s2 =	sld [smem:$0x3FD9]  }
0x89: {  	s3 =	sld [smem:$0x3FFE];
	_ =	sdelay $0x1  }
0x8a: {  	s1 =	srdreg.scid  }
0x8b: {  	s0 =	sand.u32 $0x1, s1  }
0x8c: {  	s14 =	sshll.u32 s0, $0xA;
	s2 =	sadd.s32 s3, s2  }
0x8d: {  	s2 =	sadd.s32 s2, s14  }
0x8e: {  	[smem:$0x3FC3] =	sst s2  }
0x8f: {  	_ = 	snop  }
0x90: {  	s2 =	sld [smem:$0x3FD0];
	_ =	sdelay $0x2  }
0x91: {  	s15 =	simm.s32 $0xA;
	s4 =	simm.s32 $0x10  }
0x92: {  	[smem:s4], [sflag:s15] =	dma.local [hbm:s2], $0x1  }
0x93: {  	_ =	swait.eq [sflag:s15], $0x1  }
0x94: {  	[sflag:s15] =	ssyncset.done $0x0  }
0x95: {  	[sflag:s15] =	ssyncadd.s32 $0xFFFFFFFF  }
0x96: {  	s16 =	sld [smem:$0x10];
	(tm) =	ssettm $0x1  }
0x97: {  	s17 =	sld [smem:$0x3FFB];
	_ =	sdelay $0x3  }
0x98: {  	_ =	strace s17  }
0x99: {  	s3 =	sld [smem:$0x3FFC];
	_ =	sdelay $0x3  }
0x9a: {  	_ =	strace s3  }
0x9b: {  	s3 =	sld [smem:$0x3FFD];
	_ =	sdelay $0x3  }
0x9c: {  	_ =	strace s3  }
0x9d: {  	_ =	strace $0x8FFFFFFF  }
0x9e: {  	s18 =	sld [smem:$0x3FDB];
	_ =	sdelay $0x1  }
0x9f: {  	s19 =	simm.s32 $_scs_section_size  }
0xa0: {  	s5 =	simm.s32 $_size__tile_overlayer_lowered;
	s6 =	simm.s32 $_tile_overlayer_lowered  }
0xa1: {  	s22 =	simm.s32 $0x1BFF;
	s21 =	sshll.u32 s6, $0x1;
	s3 =	sadd.s32 s19, s18  }
0xa2: {  	s7 =	simm.s32 $0x0;
	s20 =	sshll.u32 s5, $0x1;
	s5 =	sadd.s32 s21, s3  }
0xa3: {  	[timem:s7], [sflag:s22] =	dma.local [hbm:s5], s20  }
0xa4: {  	_ =	swait.ge [sflag:s22], s20  }
0xa5: {  	s4 =	ssub.s32 $0x0, s20;
	[sflag:s22] =	ssyncset.done $0x0  }
0xa6: {  	[sflag:s22] =	ssyncadd.s32 s4;
	_ =	sdelay $0x1  }
0xa7: {  	s23 =	simm.s32 $0x1B8B  }
0xa8: {  	_ =	swait.ge [sflag:s23], $0x1  }
0xa9: {  	[sflag:s23] =	ssyncset.done $0x0  }
0xaa: {  	s25 =	simm.s32 $0x1B8E;
	s24 =	sld [smem:$0x3FFE];
	[sflag:s23] =	ssyncadd.s32 $0xFFFFFFFF  }
0xab: {  	s26 =	simm.s32 $execute0_lowered;
	[smem:$0x3FD2] =	sst s25  }
0xac: {  	s5 =	sshll.u32 s26, $0x1;
	_ =	strace $0x80000046;
	[dreg:$0x1] =	wrdreg $0xFFFFFFFF  }
0xad: {  	s28 =	simm.s32 $_size_execute0_lowered;
	s3 =	sadd.s32 s3, s5;
	[dreg:$0x0] =	wrdreg $0x0  }
0xae: {  	s5 =	sshll.u32 s28, $0x1;
	[dreg:$0x2] =	wrdreg s3  }
0xaf: {  	[dreg:$0x3] =	wrdreg s5  }
0xb0: {  	[dreg:$0x4] =	wrdreg $0xC0  }
0xb1: {  	_ =	task [dreg:s7], $0x5FFFF  }
0xb2: {  	[dreg:$0x1] =	wrdreg $0xFFFFFFFF  }
0xb3: {  	[dreg:$0x0] =	wrdreg $0x60  }
0xb4: {  	[dreg:$0x2] =	wrdreg s24  }
0xb5: {  	[dreg:$0x3] =	wrdreg s16  }
0xb6: {  	[dreg:$0x4] =	wrdreg $0x65400  }
0xb7: {  	[dreg:$0x5] =	wrdreg $0x1CD400  }
0xb8: {  	[dreg:$0x6] =	wrdreg $0x9  }
0xb9: {  	_ =	task.clear_ibuf [dreg:s7], $0x7FFFF;
	_ =	strace $0x90000046  }
0xba: {  	s29 =	simm.s32 $0x9;
	_ =	strace $0x80000048  }
0xbb: {  	_ =	swait.ge [sflag:s29], $0x1  }
0xbc: {  	[sflag:s29] =	ssyncadd.s32 $0xFFFFFFFF  }
0xbd: {  	_ =	strace $0x90000048  }
0xbe: {  	_ =	sfence  }
0xbf: {  	s30 =	sld [smem:$0x0];
	_ =	sdelay $0x2  }
0xc0: {  	s31 =	sshll.u32 s1, $0xD;
	s1 =	sshrl.u32 s1, $0x2  }
0xc1: {  	s3 =	sand.u32 $0x4000, s31;
	s1 =	sadd.s32 s1, s30  }
0xc2: {  	s0 =	sor.u32 s3, s0;
	s1 =	sshll.u32 s1, $0x11  }
0xc3: {  	s0 =	sor.u32 s1, s0  }
0xc4: {  	s0 =	sadd.s32 $0x8F2B, s0  }
0xc5: {  	[sflag:s0] =	ssyncadd.remote.s32 $0x1  }
0xc6: {  	_ =	sfence.sel $0xFFFF  }
0xc7: {  	[dreg:$0x0] =	wrdreg $0xFFFFFFFF;
	(pc) =	sbr.abs _section_cstart, $3  }
0xc8: {  	[dreg:$0x1] =	wrdreg $0xFFFFFFFF  }
0xc9: {  	_ =	task.clear_ibuf [dreg:s7], $0x2FFFF;
	_ =	strace $0x9FFFFFFF  }
0xca: {  	(tm) =	ssettm $0x7FFFFFFF  }
0xcb: {  	_ =	shalt  }
tec
execute0_lowered:
.L_overlay_start_1:
0x0: {  	(tag) =	ssettag $0x1  }
0x1: {  	s0 =	srdreg.scid  }
0x2: {  	s1 =	rddreg [dreg:$0x0];
	s17 =	stileid.u32  }
0x3: {  	s7 =	rddreg [dreg:$0x1];
	s8 =	smul.u32 $0x5000, s17  }
0x4: {  	s2 =	rddreg [dreg:$0x2];
	s10 =	smul.u32 $0x28000, s17  }
0x5: {  	s3 =	rddreg [dreg:$0x3];
	s11 =	smul.u32 $0x280, s17  }
0x6: {  	s4 =	simm.s32 $0x0;
	s28 =	simm.s32 $0x5B40;
	s13 =	smul.u32 $0x5A000, s17  }
0x7: {  	s29 =	simm.s32 $0x50;
	s0 =	sand.u32 $0x1, s0;
	s20 =	smul.u32 $0xA000, s17  }
0x8: {  	s30 =	simm.s32 $0xA0;
	s31 =	simm.s32 $0x2E40;
	s6 =	smul.u32 $0x50000, s0  }
0x9: {  	[smem:$0x7FF] =	sst s4;
	s5 =	sadd.s32 $0x1600, s1;
	s9 =	smul.u32 $0x280000, s0  }
0xa: {  	s12 =	smul.u32 $0x2800, s0;
	_ =	strace $0x80000047;
	s0 =	ssub.s32 $0x2, s0  }
0xb: {  	s14 =	sadd.s32 $0xA0, s11;
	s24 =	sshrl.u32 s0, $0x1;
	s25 =	sshrl.u32 s13, $0x2  }
0xc: {  	s16 =	sadd.s32 $0x2D000, s13;
	s13 =	sadd.s32 $0x43800, s13;
	s6 =	sadd.s32 s8, s6  }
0xd: {  	s21 =	sadd.s32 s10, s9;
	s22 =	sadd.s32 s11, s12;
	s15 =	smul.u32 $0x240, s14  }
0xe: {  	s0 =	ssub.s32 s0, s24;
	s26 =	sshrl.u32 s16, $0x2;
	s13 =	sshrl.u32 s13, $0x2  }
0xf: {  	s11 =	sshll.u32 s11, $0x4;
	s6 =	sshrl.u32 s6, $0x3;
	s8 =	sshrl.u32 s21, $0x3  }
0x10: {  	s23 =	sshll.u32 s22, $0x4;
	s9 =	sshll.u32 s22, $0x1;
	s13 =	sadd.s32 s13, s2  }
0x11: {  	s22 =	sshrl.u32 s20, $0x2;
	s11 =	sadd.s32 s3, s11;
	s12 =	sadd.s32 s6, s1  }
0x12: {  	s8 =	sadd.s32 s8, s1;
	s10 =	sadd.s32 s23, s1;
	s1 =	sadd.s32 s9, s1  }
0x13: {  	s6 =	sadd.s32 s25, s2;
	s15 =	sshrl.u32 s15, $0x2;
	[dreg:$0xa] =	wrdreg s13  }
0x14: {  	s23 =	sshll.u32 s14, $0x4;
	s14 =	sadd.s32 s22, s3;
	s25 =	sadd.s32 $0x1400, s11  }
0x15: {  	s11 =	sadd.s32 $0x1E00, s11;
	s18 =	sadd.s32 $0x2D00, s6;
	[dreg:$0xd] =	wrdreg s25  }
0x16: {  	s15 =	sadd.s32 s15, s2;
	s19 =	sadd.s32 $0xE100, s6;
	[dreg:$0xe] =	wrdreg s11  }
0x17: {  	s21 =	sadd.s32 $0x13B00, s6;
	s24 =	sadd.s32 s23, s3;
	[dreg:$0x5] =	wrdreg s18  }
0x18: {  	s10 =	sadd.s32 $0xEC600, s10;
	s20 =	sadd.s32 $0xE2600, s1;
	[dreg:$0x6] =	wrdreg s15  }
0x19: {  	s22 =	sadd.s32 $0x42600, s8;
	s23 =	sadd.s32 $0x2E600, s12;
	[dreg:$0x9] =	wrdreg s19  }
0x1a: {  	s1 =	simm.s32 $0x1;
	s8 =	simm.s32 $0x6040;
	[dreg:$0xb] =	wrdreg s21  }
0x1b: {  	s11 =	simm.s32 $0x12;
	s12 =	simm.s32 $0x0;
	[dreg:$0xc] =	wrdreg s24  }
0x1c: {  	s18 =	sadd.s32 $0x8700, s6;
	s15 =	sadd.s32 s26, s2;
	[dreg:$0xf] =	wrdreg s10  }
0x1d: {  	s19 =	sadd.s32 s7, s9;
	s26 =	sadd.s32 $0x80, s6;
	s21 =	smax.u32 s0, $0x1  }
0x1e: {  	s24 =	simm.s32 $0x140;
	s0 =	simm.s32 $0x2;
	s7 =	simm.s32 $0xF0  }
0x1f: {  	s9 =	simm.s32 $0x3;
	s10 =	simm.s32 $0x4;
	[dreg:$0x7] =	wrdreg s18  }
0x20: {  	v0 =	vimm.f32 $0.0e+00;
	[dreg:$0x8] =	wrdreg s15;
	s25 =	sshrl.u32 s26, $0x3;
	s26 =	simm.s32 $0x5  }
.LBB2_1:
0x21: {  	s13 =	simm.s32 $0x180  }
0x22: {  	[tilespmem:s13+$0x30] =	vst v0  }
0x23: {  	[tilespmem:s13+$0x20] =	vst v0  }
0x24: {  	[tilespmem:s13+$0x10] =	vst v0  }
0x25: {  	[tilespmem:s13+$0x0] =	vst v0  }
0x26: {  	[tilespmem:s13+$0xFFFFFFF0] =	vst v0  }
0x27: {  	[tilespmem:s13+$0xFFFFFFE0] =	vst v0  }
0x28: {  	[tilespmem:s13+$0xFFFFFFD0] =	vst v0  }
0x29: {  	[tilespmem:s13+$0xFFFFFFC0] =	vst v0  }
0x2a: {  	s16 =	simm.s32 $0x0;
	s15 =	simm.s32 $0x40;
	[tilespmem:s13+$0x40] =	vst v0  }
.LBB2_2:
0x2b: {  	p0 =	sne.s32 s15, $0x13C0;
	[tilespmem:s16+$0x6040] =	vst v0  }
0x2c: {  	s13 =	sadd.s32 $0x90, s13;
	[tilespmem:s16+$0x5B40] =	vst v0  }
0x2d: {  	[tilespmem:s13+$0x30] =	vst v0  }
0x2e: {  	[tilespmem:s13+$0x20] =	vst v0  }
0x2f: {  	[tilespmem:s13+$0x10] =	vst v0  }
0x30: {  	[tilespmem:s13+$0x0] =	vst v0  }
.Ltmp0:
0x31: {  	[tilespmem:s13+$0xFFFFFFF0] =	vst v0;
	(pc) =	sbr.rel @p0 .LBB2_2-.Ltmp0, $4  }
0x32: {  	[tilespmem:s13+$0xFFFFFFE0] =	vst v0  }
0x33: {  	[tilespmem:s13+$0xFFFFFFD0] =	vst v0  }
0x34: {  	[tilespmem:s13+$0xFFFFFFC0] =	vst v0  }
0x35: {  	s16 =	sshra.s32 s15, $0x2;
	s15 =	sadd.s32 $0x40, s15;
	[tilespmem:s13+$0x40] =	vst v0  }
0x36: {  	[tilespmem:s16+$0x6040] =	vst v0  }
0x37: {  	[tilespmem:s16+$0x5B40] =	vst v0  }
0x38: {  	[spmem:s6] =	stream.linear.scatter [tilespmem:s24], [sflag:$0x5], $0x2D00, $0x38;
	[tilespmem:$0x1F540] =	vst v63  }
0x39: {  	_ =	swait.ge [sflag:s26], $0x2D00  }
0x3a: {  	[sflag:s26] =	ssyncset.done $0x0  }
0x3b: {  	s13 =	rddreg [dreg:$0x5];
	[sflag:s26] =	ssyncadd.s32 $0xFFFFD300  }
0x3c: {  	[spmem:s13] =	stream.linear.scatter [tilespmem:s24], [sflag:$0x5], $0x2D00, $0x38;
	[tilespmem:$0x1F540] =	vst v63  }
0x3d: {  	_ =	swait.ge [sflag:s26], $0x2D00  }
0x3e: {  	[sflag:s26] =	ssyncset.done $0x0  }
0x3f: {  	s17 =	rddreg [dreg:$0x6];
	[sflag:s26] =	ssyncadd.s32 $0xFFFFD300  }
0x40: {  	[spmem:s17] =	stream.linear.scatter [tilespmem:s24], [sflag:$0x5], $0x2D00, $0x38;
	[tilespmem:$0x1F540] =	vst v63  }
0x41: {  	_ =	swait.ge [sflag:s26], $0x2D00  }
0x42: {  	[sflag:s26] =	ssyncset.done $0x0  }
0x43: {  	s18 =	rddreg [dreg:$0x7];
	[sflag:s26] =	ssyncadd.s32 $0xFFFFD300  }
0x44: {  	[spmem:s18] =	stream.linear.scatter [tilespmem:s24], [sflag:$0x5], $0x2D00, $0x38;
	[tilespmem:$0x1F540] =	vst v63  }
0x45: {  	_ =	swait.ge [sflag:s26], $0x2D00  }
0x46: {  	[sflag:s26] =	ssyncset.done $0x0  }
0x47: {  	s15 =	rddreg [dreg:$0x8];
	[sflag:s26] =	ssyncadd.s32 $0xFFFFD300  }
0x48: {  	[spmem:s15] =	stream.linear.scatter [tilespmem:s24], [sflag:$0x5], $0x2D00, $0x38;
	[tilespmem:$0x1F540] =	vst v63  }
0x49: {  	_ =	swait.ge [sflag:s26], $0x2D00  }
0x4a: {  	[sflag:s26] =	ssyncset.done $0x0  }
0x4b: {  	s16 =	rddreg [dreg:$0x9];
	[sflag:s26] =	ssyncadd.s32 $0xFFFFD300  }
0x4c: {  	[spmem:s16] =	stream.linear.scatter [tilespmem:s24], [sflag:$0x5], $0x2D00, $0x38;
	[tilespmem:$0x1F540] =	vst v63  }
0x4d: {  	_ =	swait.ge [sflag:s26], $0x2D00  }
0x4e: {  	[sflag:s26] =	ssyncset.done $0x0  }
0x4f: {  	s17 =	rddreg [dreg:$0xa];
	[sflag:s26] =	ssyncadd.s32 $0xFFFFD300  }
0x50: {  	[spmem:s17] =	stream.linear.scatter [tilespmem:s24], [sflag:$0x5], $0x2D00, $0x38;
	[tilespmem:$0x1F540] =	vst v63  }
0x51: {  	_ =	swait.ge [sflag:s26], $0x2D00  }
0x52: {  	[sflag:s26] =	ssyncset.done $0x0  }
0x53: {  	s18 =	rddreg [dreg:$0xb];
	[sflag:s26] =	ssyncadd.s32 $0xFFFFD300  }
0x54: {  	[spmem:s18] =	stream.linear.scatter [tilespmem:s24], [sflag:$0x5], $0x2D00, $0x38;
	[tilespmem:$0x1F540] =	vst v63  }
0x55: {  	_ =	swait.ge [sflag:s26], $0x2D00  }
0x56: {  	[sflag:s26] =	ssyncset.done $0x0  }
0x57: {  	[sflag:s26] =	ssyncadd.s32 $0xFFFFD300  }
0x58: {  	[spmem:s14] =	stream.linear.scatter [tilespmem:s28], [sflag:$0x5], $0xA00, $0x38;
	[tilespmem:$0x1F540] =	vst v63  }
0x59: {  	_ =	swait.ge [sflag:s26], $0xA00  }
0x5a: {  	[sflag:s26] =	ssyncset.done $0x0  }
0x5b: {  	s15 =	rddreg [dreg:$0xc];
	[sflag:s26] =	ssyncadd.s32 $0xFFFFF600  }
0x5c: {  	[spmem:s15] =	stream.linear.scatter [tilespmem:s28], [sflag:$0x5], $0xA00, $0x38;
	[tilespmem:$0x1F540] =	vst v63  }
0x5d: {  	_ =	swait.ge [sflag:s26], $0xA00  }
0x5e: {  	[sflag:s26] =	ssyncset.done $0x0  }
0x5f: {  	s16 =	rddreg [dreg:$0xd];
	[sflag:s26] =	ssyncadd.s32 $0xFFFFF600  }
0x60: {  	[spmem:s16] =	stream.linear.scatter [tilespmem:s28], [sflag:$0x5], $0xA00, $0x38;
	[tilespmem:$0x1F540] =	vst v63  }
0x61: {  	_ =	swait.ge [sflag:s26], $0xA00  }
0x62: {  	[sflag:s26] =	ssyncset.done $0x0  }
0x63: {  	s17 =	rddreg [dreg:$0xe];
	[sflag:s26] =	ssyncadd.s32 $0xFFFFF600  }
0x64: {  	[spmem:s17] =	stream.linear.scatter [tilespmem:s28], [sflag:$0x5], $0xA00, $0x38;
	[tilespmem:$0x1F540] =	vst v63  }
0x65: {  	_ =	swait.ge [sflag:s26], $0xA00  }
0x66: {  	[sflag:s26] =	ssyncset.done $0x0  }
0x67: {  	[sflag:s26] =	ssyncadd.s32 $0xFFFFF600  }
0x68: {  	s18 =	sadd.s32 $0x0, s23;
	[bflag:$0x0] =	sbarrier.arrive $0xFFFF  }
0x69: {  	[tilespmem:s4], [sflag:$0x5] =	stream.linear.gather [hbm4b:s18+s4], $0x140, $0x38;
	[tilespmem:$0x1F540] =	vst v63  }
0x6a: {  	_ =	swait.ge [sflag:s26], $0x140  }
0x6b: {  	[sflag:s26] =	ssyncset.done $0x0  }
0x6c: {  	[sflag:s26] =	ssyncadd.s32 $0xFFFFFEC0  }
0x6d: {  	[tilespmem:s24], [sflag:$0x1] =	stream.indirect.gather [hbm4b:s5+s29], $0x90, s4, s29, $0xb8;
	[tilespmem:$0x1F540] =	vst v63  }
0x6e: {  	_ = 	snop  }
0x6f: {  	[tilespmem:s31], [sflag:$0x2] =	stream.indirect.gather [hbm4b:s5+s29], $0x90, s30, s29, $0xb8;
	[tilespmem:$0x1F540] =	vst v63  }
0x70: {  	_ = 	snop  }
0x71: {  	[tilespmem:s28], [sflag:$0x5] =	stream.linear.gather [hbm4b:s22+s4], $0xA00, $0x38;
	[tilespmem:$0x1F540] =	vst v63  }
0x72: {  	_ =	swait.ge [sflag:s26], $0xA00  }
0x73: {  	[sflag:s26] =	ssyncset.done $0x0  }
0x74: {  	[sflag:s26] =	ssyncadd.s32 $0xFFFFF600  }
0x75: {  	_ =	swait.ge [sflag:s1], $0x2D00  }
0x76: {  	[sflag:s1] =	ssyncset.done $0x0  }
0x77: {  	[sflag:s1] =	ssyncadd.s32 $0xFFFFD300  }
0x78: {  	[spmem:s2] =	stream.indirect.scatter.add.f32 [tilespmem:s24], [sflag:$0x3], $0x90, s29, s29, $0xb8;
	[tilespmem:$0x1F540] =	vst v63  }
0x79: {  	_ =	swait.ge [sflag:s0], $0x2D00  }
0x7a: {  	[sflag:s0] =	ssyncset.done $0x0  }
0x7b: {  	[sflag:s0] =	ssyncadd.s32 $0xFFFFD300  }
0x7c: {  	[spmem:s2] =	stream.indirect.scatter.add.f32 [tilespmem:s31], [sflag:$0x4], $0x90, s7, s29, $0xb8;
	[tilespmem:$0x1F540] =	vst v63  }
0x7d: {  	_ = 	snop  }
0x7e: {  	[spmem:s3] =	stream.indirect.scatter.add.f32 [tilespmem:s28], [sflag:$0x5], $0x10, s4, s29, $0xb8;
	[tilespmem:$0x1F540] =	vst v63  }
0x7f: {  	_ =	swait.ge [sflag:s26], $0x500  }
0x80: {  	[sflag:s26] =	ssyncset.done $0x0  }
0x81: {  	[sflag:s26] =	ssyncadd.s32 $0xFFFFFB00  }
0x82: {  	[spmem:s3] =	stream.indirect.scatter.add.f32 [tilespmem:s8], [sflag:$0x5], $0x10, s30, s29, $0xb8;
	[tilespmem:$0x1F540] =	vst v63  }
0x83: {  	_ =	swait.ge [sflag:s26], $0x500  }
0x84: {  	[sflag:s26] =	ssyncset.done $0x0  }
0x85: {  	[sflag:s26] =	ssyncadd.s32 $0xFFFFFB00  }
0x86: {  	_ =	swait.ge [sflag:s9], $0x2D00  }
0x87: {  	[sflag:s9] =	ssyncset.done $0x0  }
0x88: {  	[sflag:s9] =	ssyncadd.s32 $0xFFFFD300  }
0x89: {  	s13 =	sadd.s32 $0x140, s22;
	_ =	swait.ge [sflag:s10], $0x2D00  }
0x8a: {  	s15 =	simm.s32 $0x28;
	s16 =	simm.s32 $0x50;
	[sflag:s10] =	ssyncset.done $0x0  }
.LBB2_4:
0x8b: {  	s18 =	sadd.s32 s15, s23  }
0x8c: {  	[sflag:s10] =	ssyncadd.s32 $0xFFFFD300;
	s15 =	smov.u32 s16;
	s17 =	sadd.s32 $0x28, s16  }
0x8d: {  	[tilespmem:s4], [sflag:$0x5] =	stream.linear.gather [hbm4b:s18+s4], $0x140, $0x38;
	[tilespmem:$0x1F540] =	vst v63  }
0x8e: {  	p0 =	sne.s32 s16, $0x9D8;
	_ =	swait.ge [sflag:s26], $0x140  }
0x8f: {  	[sflag:s26] =	ssyncset.done $0x0  }
0x90: {  	[sflag:s26] =	ssyncadd.s32 $0xFFFFFEC0  }
0x91: {  	[tilespmem:s24], [sflag:$0x1] =	stream.indirect.gather [hbm4b:s5+s29], $0x90, s4, s29, $0xb8;
	[tilespmem:$0x1F540] =	vst v63  }
0x92: {  	_ = 	snop  }
0x93: {  	[tilespmem:s31], [sflag:$0x2] =	stream.indirect.gather [hbm4b:s5+s29], $0x90, s30, s29, $0xb8;
	[tilespmem:$0x1F540] =	vst v63  }
0x94: {  	_ = 	snop  }
0x95: {  	[tilespmem:s28], [sflag:$0x5] =	stream.linear.gather [hbm4b:s13+s4], $0xA00, $0x38;
	[tilespmem:$0x1F540] =	vst v63  }
0x96: {  	_ =	swait.ge [sflag:s26], $0xA00  }
0x97: {  	[sflag:s26] =	ssyncset.done $0x0  }
0x98: {  	[sflag:s26] =	ssyncadd.s32 $0xFFFFF600  }
0x99: {  	_ =	swait.ge [sflag:s1], $0x2D00  }
0x9a: {  	[sflag:s1] =	ssyncset.done $0x0  }
0x9b: {  	[sflag:s1] =	ssyncadd.s32 $0xFFFFD300  }
0x9c: {  	[spmem:s2] =	stream.indirect.scatter.add.f32 [tilespmem:s24], [sflag:$0x3], $0x90, s29, s29, $0xb8;
	[tilespmem:$0x1F540] =	vst v63  }
0x9d: {  	_ =	swait.ge [sflag:s0], $0x2D00  }
0x9e: {  	[sflag:s0] =	ssyncset.done $0x0  }
0x9f: {  	[sflag:s0] =	ssyncadd.s32 $0xFFFFD300  }
0xa0: {  	[spmem:s2] =	stream.indirect.scatter.add.f32 [tilespmem:s31], [sflag:$0x4], $0x90, s7, s29, $0xb8;
	[tilespmem:$0x1F540] =	vst v63  }
0xa1: {  	_ = 	snop  }
0xa2: {  	[spmem:s3] =	stream.indirect.scatter.add.f32 [tilespmem:s28], [sflag:$0x5], $0x10, s4, s29, $0xb8;
	[tilespmem:$0x1F540] =	vst v63  }
0xa3: {  	_ =	swait.ge [sflag:s26], $0x500  }
0xa4: {  	[sflag:s26] =	ssyncset.done $0x0  }
0xa5: {  	[sflag:s26] =	ssyncadd.s32 $0xFFFFFB00  }
0xa6: {  	[spmem:s3] =	stream.indirect.scatter.add.f32 [tilespmem:s8], [sflag:$0x5], $0x10, s30, s29, $0xb8;
	[tilespmem:$0x1F540] =	vst v63  }
0xa7: {  	_ =	swait.ge [sflag:s26], $0x500  }
0xa8: {  	[sflag:s26] =	ssyncset.done $0x0  }
0xa9: {  	[sflag:s26] =	ssyncadd.s32 $0xFFFFFB00  }
.Ltmp1:
0xaa: {  	_ =	swait.ge [sflag:s9], $0x2D00;
	(pc) =	sbr.rel @p0 .LBB2_4-.Ltmp1, $4  }
0xab: {  	[sflag:s9] =	ssyncset.done $0x0  }
0xac: {  	[sflag:s9] =	ssyncadd.s32 $0xFFFFD300  }
0xad: {  	_ =	swait.ge [sflag:s10], $0x2D00  }
0xae: {  	s16 =	smov.u32 s17;
	s13 =	sadd.s32 $0x140, s13;
	[sflag:s10] =	ssyncset.done $0x0  }
0xaf: {  	s15 =	sadd.s32 s15, s23;
	[sflag:s10] =	ssyncadd.s32 $0xFFFFD300  }
0xb0: {  	[tilespmem:s4], [sflag:$0x5] =	stream.linear.gather [hbm4b:s15+s4], $0x140, $0x38;
	[tilespmem:$0x1F540] =	vst v63  }
0xb1: {  	_ =	swait.ge [sflag:s26], $0x140  }
0xb2: {  	[sflag:s26] =	ssyncset.done $0x0  }
0xb3: {  	[sflag:s26] =	ssyncadd.s32 $0xFFFFFEC0  }
0xb4: {  	[tilespmem:s24], [sflag:$0x1] =	stream.indirect.gather [hbm4b:s5+s29], $0x90, s4, s29, $0xb8;
	[tilespmem:$0x1F540] =	vst v63  }
0xb5: {  	_ = 	snop  }
0xb6: {  	[tilespmem:s31], [sflag:$0x2] =	stream.indirect.gather [hbm4b:s5+s29], $0x90, s30, s29, $0xb8;
	[tilespmem:$0x1F540] =	vst v63  }
0xb7: {  	_ = 	snop  }
0xb8: {  	[tilespmem:s28], [sflag:$0x5] =	stream.linear.gather [hbm4b:s13+s4], $0xA00, $0x38;
	[tilespmem:$0x1F540] =	vst v63  }
0xb9: {  	_ =	swait.ge [sflag:s26], $0xA00  }
0xba: {  	[sflag:s26] =	ssyncset.done $0x0  }
0xbb: {  	[sflag:s26] =	ssyncadd.s32 $0xFFFFF600  }
0xbc: {  	_ =	swait.ge [sflag:s1], $0x2D00  }
0xbd: {  	[sflag:s1] =	ssyncset.done $0x0  }
0xbe: {  	[sflag:s1] =	ssyncadd.s32 $0xFFFFD300  }
0xbf: {  	[spmem:s2] =	stream.indirect.scatter.add.f32 [tilespmem:s24], [sflag:$0x3], $0x90, s29, s29, $0xb8;
	[tilespmem:$0x1F540] =	vst v63  }
0xc0: {  	_ =	swait.ge [sflag:s0], $0x2D00  }
0xc1: {  	[sflag:s0] =	ssyncset.done $0x0  }
0xc2: {  	[sflag:s0] =	ssyncadd.s32 $0xFFFFD300  }
0xc3: {  	[spmem:s2] =	stream.indirect.scatter.add.f32 [tilespmem:s31], [sflag:$0x4], $0x90, s7, s29, $0xb8;
	[tilespmem:$0x1F540] =	vst v63  }
0xc4: {  	_ = 	snop  }
0xc5: {  	[spmem:s3] =	stream.indirect.scatter.add.f32 [tilespmem:s28], [sflag:$0x5], $0x10, s4, s29, $0xb8;
	[tilespmem:$0x1F540] =	vst v63  }
0xc6: {  	_ =	swait.ge [sflag:s26], $0x500  }
0xc7: {  	[sflag:s26] =	ssyncset.done $0x0  }
0xc8: {  	[sflag:s26] =	ssyncadd.s32 $0xFFFFFB00  }
0xc9: {  	[spmem:s3] =	stream.indirect.scatter.add.f32 [tilespmem:s8], [sflag:$0x5], $0x10, s30, s29, $0xb8;
	[tilespmem:$0x1F540] =	vst v63  }
0xca: {  	_ =	swait.ge [sflag:s26], $0x500  }
0xcb: {  	[sflag:s26] =	ssyncset.done $0x0  }
0xcc: {  	[sflag:s26] =	ssyncadd.s32 $0xFFFFFB00  }
0xcd: {  	_ =	swait.ge [sflag:s9], $0x2D00  }
0xce: {  	[sflag:s9] =	ssyncset.done $0x0  }
0xcf: {  	[sflag:s9] =	ssyncadd.s32 $0xFFFFD300  }
0xd0: {  	_ =	swait.ge [sflag:s10], $0x2D00  }
0xd1: {  	[sflag:s10] =	ssyncset.done $0x0  }
0xd2: {  	s17 =	stileid.u32;
	[sflag:s10] =	ssyncadd.s32 $0xFFFFD300  }
0xd3: {  	s18 =	sshrl.u32 s6, $0x3;
	s13 =	sshll.u32 s17, $0x6;
	[bflag:$0x0] =	sbarrier.arrive $0xFFFF  }
0xd4: {  	s17 =	simm.s32 $0x10;
	s13 =	sor.u32 $0x1C05, s13;
	s16 =	rddreg [dreg:$0xf]  }
0xd5: {  	[hbm:s16@s17], [sflag:s13] =	dma.strided [spmem:s18@s11], $0x2800, s1, $0x10   }
0xd6: {  	_ =	swait.ge [sflag:s26], $0x2800  }
0xd7: {  	[sflag:s26] =	ssyncset.done $0x0  }
0xd8: {  	[sflag:s26] =	ssyncadd.s32 $0xFFFFD800  }
0xd9: {  	[hbm:s19@s0], [sflag:s13] =	dma.strided [spmem:s25@s11], $0x500, s1, $0x2   }
0xda: {  	s12 =	sadd.s32 $0x1, s12;
	_ =	swait.ge [sflag:s26], $0x500  }
0xdb: {  	p0 =	sne.s32 s12, s21;
	[sflag:s26] =	ssyncset.done $0x0  }
.Ltmp2:
0xdc: {  	s18 =	sshrl.u32 s14, $0x3;
	[sflag:s26] =	ssyncadd.s32 $0xFFFFFB00;
	(pc) =	sbr.rel @p0 .LBB2_1-.Ltmp2, $4  }
0xdd: {  	[hbm:s20], [sflag:s13] =	dma.local [spmem:s18], $0x500  }
0xde: {  	_ =	swait.ge [sflag:s26], $0x500  }
0xdf: {  	[sflag:s26] =	ssyncset.done $0x0  }
0xe0: {  	[sflag:s26] =	ssyncadd.s32 $0xFFFFFB00  }
0xe1: {  	_ =	sfence.sel $0x180000  }
0xe2: {  	[bflag:$0x0] =	sbarrier.arrive $0xFFFF  }
0xe3: {  	_ =	strace $0x90000047  }
0xe4: {  	s0 =	stileid.u32;
	[bflag:$0x2] =	sbarrier.arrive $0xFFFF  }
0xe5: {  	p0 =	sne.s32 s0, $0x0;
	s0 =	rddreg [dreg:$0x4]  }
0xe6: {  	s0 =	sadd.s32 @!p0 $0x100000, s0  }
0xe7: {  	[sflag:s0] =	ssyncadd.tile.s32 @!p0 $0x1;
	_ =	shalt  }
.Lfunc_end2:
_tile_overlayer_lowered:
.L_overlay_start_2:
0xe8: {  	(tag) =	ssettag $0x2  }
0xe9: {  	s0 =	rddreg [dreg:$0x0];
	s2 =	stileid.u32  }
0xea: {  	s1 =	rddreg [dreg:$0x1];
	p0 =	sne.s32 s2, $0x0  }
0xeb: {  	s3 =	rddreg [dreg:$0x2];
	[bflag:$0x3] =	sbarrier.arrive $0xFFFF;
	s2 =	simm.s32 @!p0 $0x1C05  }
0xec: {  	[timem:s3], [sflag:s2] =	dma.local @!p0 [hbm:s0], s1  }
0xed: {  	s0 =	simm.s32 @!p0 $0x5  }
0xee: {  	_ =	swait.ge @!p0 [sflag:s0], s1  }
0xef: {  	s1 =	ssub.s32 @!p0 $0x0, s1;
	[sflag:s0] =	ssyncset.done @!p0 $0x0  }
0xf0: {  	[sflag:s0] =	ssyncadd.s32 @!p0 s1  }
0xf1: {  	[bflag:$0x3] =	sbarrier.arrive $0xFFFF  }
0xf2: {  	_ =	shalt  }

</sc_bundles>
